<compile_context>
chip_gen: v7x
topology: tpu7x:2x2x1
jax: 0.10.2.dev20260603
libtpu: 0.0.44.dev20260713+nightly
codegen_flags: <defaults>
</compile_context>

<pallas_src>
import functools

import jax
import jax.numpy as jnp
from jax import lax
from jax.experimental import pallas as pl
from jax.experimental.pallas import tpu as pltpu
from jax.experimental.pallas import tpu_sc as plsc

B = 16384
D = 16
NC = 2
NS = 16
NW = NC * NS
B_PER_W = B // NW
CHUNK = 128
N_CHUNKS = B_PER_W // CHUNK

_MESH = plsc.VectorSubcoreMesh(
    core_axis_name="c", subcore_axis_name="s", num_cores=NC, num_subcores=NS
)


@functools.partial(
    pl.kernel,
    out_type=(
        jax.ShapeDtypeStruct((B, D), jnp.float32),
        jax.ShapeDtypeStruct((B, D), jnp.float32),
        jax.ShapeDtypeStruct((B, D), jnp.float32),
    ),
    mesh=_MESH,
    compiler_params=pltpu.CompilerParams(use_tc_tiling_on_sc=False),
    scratch_types=[
        pltpu.VMEM((B_PER_W,), jnp.int32),
        pltpu.VMEM((B_PER_W,), jnp.int32),
        pltpu.VMEM((B_PER_W,), jnp.int32),
        pltpu.VMEM((B_PER_W, D), jnp.float32),
        pltpu.VMEM((B_PER_W, D), jnp.float32),
        pltpu.VMEM((B_PER_W, D), jnp.float32),
        pltpu.SemaphoreType.DMA,
    ],
)
def _sc_gather(
    skill_t, loc_t, role_t, s_idx, l_idx, r_idx,
    out_s, out_l, out_r,
    idx_s, idx_l, idx_r, rows_s, rows_l, rows_r, sem,
):
    wid = lax.axis_index("s") * NC + lax.axis_index("c")
    base = wid * B_PER_W
    pltpu.sync_copy(s_idx.at[pl.ds(base, B_PER_W)], idx_s)
    pltpu.sync_copy(l_idx.at[pl.ds(base, B_PER_W)], idx_l)
    pltpu.sync_copy(r_idx.at[pl.ds(base, B_PER_W)], idx_r)
    copies = []
    for tab, idx_v, rows_v in (
        (skill_t, idx_s, rows_s),
        (loc_t, idx_l, rows_l),
        (role_t, idx_r, rows_r),
    ):
        for g in range(N_CHUNKS):
            sl = pl.ds(g * CHUNK, CHUNK)
            copies.append(pltpu.async_copy(tab.at[idx_v.at[sl]], rows_v.at[sl], sem))
    for c in copies:
        c.wait()
    pltpu.sync_copy(rows_s, out_s.at[pl.ds(base, B_PER_W)])
    pltpu.sync_copy(rows_l, out_l.at[pl.ds(base, B_PER_W)])
    pltpu.sync_copy(rows_r, out_r.at[pl.ds(base, B_PER_W)])


BLK = 2048


def _mlp_body(s_ref, l_ref, r_ref, w1s_ref, w1l_ref, w1r_ref, b1_ref,
              w2_ref, b2_ref, w3_ref, b3_ref, out_ref):
    h = (
        jnp.dot(s_ref[...], w1s_ref[...], preferred_element_type=jnp.float32)
        + jnp.dot(l_ref[...], w1l_ref[...], preferred_element_type=jnp.float32)
        + jnp.dot(r_ref[...], w1r_ref[...], preferred_element_type=jnp.float32)
        + b1_ref[...]
    )
    h = jnp.maximum(h, 0.0)
    h2 = jnp.dot(h, w2_ref[...], preferred_element_type=jnp.float32) + b2_ref[...]
    h2 = jnp.maximum(h2, 0.0)
    logit = jnp.sum(h2 * w3_ref[...], axis=1) + b3_ref[0, 0]
    out_ref[...] = jax.nn.sigmoid(logit)


_mlp = pl.pallas_call(
    _mlp_body,
    grid=(B // BLK,),
    in_specs=[
        pl.BlockSpec((BLK, D), lambda i: (i, 0)),
        pl.BlockSpec((BLK, D), lambda i: (i, 0)),
        pl.BlockSpec((BLK, D), lambda i: (i, 0)),
        pl.BlockSpec((D, 64), lambda i: (0, 0)),
        pl.BlockSpec((D, 64), lambda i: (0, 0)),
        pl.BlockSpec((D, 64), lambda i: (0, 0)),
        pl.BlockSpec((1, 64), lambda i: (0, 0)),
        pl.BlockSpec((64, 32), lambda i: (0, 0)),
        pl.BlockSpec((1, 32), lambda i: (0, 0)),
        pl.BlockSpec((1, 32), lambda i: (0, 0)),
        pl.BlockSpec((1, 1), lambda i: (0, 0), memory_space=pltpu.SMEM),
    ],
    out_specs=pl.BlockSpec((BLK,), lambda i: (i,)),
    out_shape=jax.ShapeDtypeStruct((B,), jnp.float32),
)


def kernel(skill_idx, location_idx, role_idx, skill_table, location_table,
           role_table, W1, b1, W2, b2, W3, b3):
    s_idx = skill_idx.astype(jnp.int32)
    l_idx = location_idx.astype(jnp.int32)
    r_idx = role_idx.astype(jnp.int32)
    es, el, er = _sc_gather(skill_table, location_table, role_table,
                            s_idx, l_idx, r_idx)
    return _mlp(
        es, el, er,
        W1[0:D], W1[D:2 * D], W1[2 * D:3 * D],
        b1.reshape(1, 64), W2, b2.reshape(1, 32),
        W3.reshape(1, 32), b3.reshape(1, 1),
    )

# --- scband reference (transcript-rebuilt; emitter-appended) ---
"""Pipeline reference for scband-recommendation-ann-18580028522738 (READ-ONLY COPY).

The authoritative reference and input builder live on the scoring server;
editing this copy changes nothing except your own understanding.
"""

import jax, jax.numpy as jnp
import numpy as np

B = 16384
D = 16
NUM_SKILLS = 1000000
NUM_LOCATIONS = 100000
NUM_ROLES = 1000


def setup_inputs(seed: int = 0) -> dict:
    key = jax.random.key(seed)
    ks = jax.random.split(key, 12)
    skill_idx = jax.random.randint(ks[0], (B,), 0, NUM_SKILLS, dtype=jnp.int64 if jax.config.jax_enable_x64 else jnp.int32)
    location_idx = jax.random.randint(ks[1], (B,), 0, NUM_LOCATIONS, dtype=skill_idx.dtype)
    role_idx = jax.random.randint(ks[2], (B,), 0, NUM_ROLES, dtype=skill_idx.dtype)
    skill_table = jax.random.normal(ks[3], (NUM_SKILLS, D), dtype=jnp.float32) * 0.02
    location_table = jax.random.normal(ks[4], (NUM_LOCATIONS, D), dtype=jnp.float32) * 0.02
    role_table = jax.random.normal(ks[5], (NUM_ROLES, D), dtype=jnp.float32) * 0.02
    W1 = jax.random.normal(ks[6], (D * 3, 64), dtype=jnp.float32) * 0.1
    b1 = jnp.zeros((64,), dtype=jnp.float32)
    W2 = jax.random.normal(ks[7], (64, 32), dtype=jnp.float32) * 0.1
    b2 = jnp.zeros((32,), dtype=jnp.float32)
    W3 = jax.random.normal(ks[8], (32, 1), dtype=jnp.float32) * 0.1
    b3 = jnp.zeros((1,), dtype=jnp.float32)
    return {
        'skill_idx': skill_idx,
        'location_idx': location_idx,
        'role_idx': role_idx,
        'skill_table': skill_table,
        'location_table': location_table,
        'role_table': role_table,
        'W1': W1, 'b1': b1,
        'W2': W2, 'b2': b2,
        'W3': W3, 'b3': b3,
    }


def reference(skill_idx, location_idx, role_idx, skill_table, location_table, role_table, W1, b1, W2, b2, W3, b3):
    skill_embed = jnp.take(skill_table, skill_idx, axis=0)
    location_embed = jnp.take(location_table, location_idx, axis=0)
    role_embed = jnp.take(role_table, role_idx, axis=0)
    x = jnp.concatenate([skill_embed, location_embed, role_embed], axis=1)
    x = jax.nn.relu(x @ W1 + b1)
    x = jax.nn.relu(x @ W2 + b2)
    x = jax.nn.sigmoid(x @ W3 + b3)
    return jnp.squeeze(x, axis=-1)

if __name__ == "__main__":
    import jax
    _d = setup_inputs()
    print(jax.jit(kernel)(*tuple(_d.values())))

</pallas_src>

<mosaic_0001>
#map = affine_map<(d0, d1) -> (0, 0)>
#map1 = affine_map<(d0, d1) -> (0)>
module attributes {stable_mosaic.version = 14 : i64} {
  func.func @_sc_gather(%arg0: i32, %arg1: i32, %arg2: memref<1000000x16xf32, #tpu.memory_space<hbm>>, %arg3: memref<100000x16xf32, #tpu.memory_space<hbm>>, %arg4: memref<1000x16xf32, #tpu.memory_space<hbm>>, %arg5: memref<16384xi32, #tpu.memory_space<hbm>>, %arg6: memref<16384xi32, #tpu.memory_space<hbm>>, %arg7: memref<16384xi32, #tpu.memory_space<hbm>>, %arg8: memref<16384x16xf32, #tpu.memory_space<hbm>>, %arg9: memref<16384x16xf32, #tpu.memory_space<hbm>>, %arg10: memref<16384x16xf32, #tpu.memory_space<hbm>>, %arg11: memref<512xi32, #tpu.memory_space<vmem>>, %arg12: memref<512xi32, #tpu.memory_space<vmem>>, %arg13: memref<512xi32, #tpu.memory_space<vmem>>, %arg14: memref<512x16xf32, #tpu.memory_space<vmem>>, %arg15: memref<512x16xf32, #tpu.memory_space<vmem>>, %arg16: memref<512x16xf32, #tpu.memory_space<vmem>>, %arg17: memref<!tpu.dma_semaphore, #tpu.memory_space<semaphore_mem>>) attributes {dimension_semantics = [#tpu.dimension_semantics<core_parallel>, #tpu.dimension_semantics<subcore_parallel>], iteration_bounds = array<i64: 2, 16>, scalar_prefetch = 0 : i64, scratch_operands = 7 : i64, tpu.core_type = #tpu.core_type<sc_vector_subcore>, window_params = [{transform_indices = #map}, {transform_indices = #map}, {transform_indices = #map}, {transform_indices = #map1}, {transform_indices = #map1}, {transform_indices = #map1}, {transform_indices = #map}, {transform_indices = #map}, {transform_indices = #map}]} {
    %mul3A = arith.constant 2 : i32
    %mul3A_0 = arith.muli %arg1, %mul3A : i32
    %add3A = arith.addi %mul3A_0, %arg0 : i32
    %mul3A_1 = arith.constant 512 : i32
    %mul3A_2 = arith.muli %add3A, %mul3A_1 : i32
    "tpu.region"() ({
      %run_scoped3A = tpu.sem_alloc : memref<!tpu.dma_semaphore, #tpu.memory_space<semaphore_mem>>
      %dma_start3A_193 = tpu.memref_slice %arg5[%mul3A_2] : memref<16384xi32, #tpu.memory_space<hbm>> -> memref<512xi32, #tpu.memory_space<hbm>>
      %dma_start3A_194 = tpu.memref_slice %arg5[%mul3A_2] : memref<16384xi32, #tpu.memory_space<hbm>> -> memref<512xi32, #tpu.memory_space<hbm>>
      tpu.enqueue_dma source(%dma_start3A_194 : memref<512xi32, #tpu.memory_space<hbm>>) target(%arg11 : memref<512xi32, #tpu.memory_space<vmem>>) target_semaphore(%run_scoped3A : memref<!tpu.dma_semaphore, #tpu.memory_space<semaphore_mem>>)
      %dma_wait3A_195 = tpu.memref_slice %arg5[%mul3A_2] : memref<16384xi32, #tpu.memory_space<hbm>> -> memref<512xi32, #tpu.memory_space<hbm>>
      %dma_wait3A_196 = tpu.memref_slice %arg5[%mul3A_2] : memref<16384xi32, #tpu.memory_space<hbm>> -> memref<512xi32, #tpu.memory_space<hbm>>
      tpu.wait_dma2 semaphore(%run_scoped3A : memref<!tpu.dma_semaphore, #tpu.memory_space<semaphore_mem>>) src(%dma_wait3A_196 : memref<512xi32, #tpu.memory_space<hbm>>) dst(%arg11 : memref<512xi32, #tpu.memory_space<vmem>>)
      tpu.yield
    }) : () -> ()
    "tpu.region"() ({
      %run_scoped3A = tpu.sem_alloc : memref<!tpu.dma_semaphore, #tpu.memory_space<semaphore_mem>>
      %dma_start3A_193 = tpu.memref_slice %arg6[%mul3A_2] : memref<16384xi32, #tpu.memory_space<hbm>> -> memref<512xi32, #tpu.memory_space<hbm>>
      %dma_start3A_194 = tpu.memref_slice %arg6[%mul3A_2] : memref<16384xi32, #tpu.memory_space<hbm>> -> memref<512xi32, #tpu.memory_space<hbm>>
      tpu.enqueue_dma source(%dma_start3A_194 : memref<512xi32, #tpu.memory_space<hbm>>) target(%arg12 : memref<512xi32, #tpu.memory_space<vmem>>) target_semaphore(%run_scoped3A : memref<!tpu.dma_semaphore, #tpu.memory_space<semaphore_mem>>)
      %dma_wait3A_195 = tpu.memref_slice %arg6[%mul3A_2] : memref<16384xi32, #tpu.memory_space<hbm>> -> memref<512xi32, #tpu.memory_space<hbm>>
      %dma_wait3A_196 = tpu.memref_slice %arg6[%mul3A_2] : memref<16384xi32, #tpu.memory_space<hbm>> -> memref<512xi32, #tpu.memory_space<hbm>>
      tpu.wait_dma2 semaphore(%run_scoped3A : memref<!tpu.dma_semaphore, #tpu.memory_space<semaphore_mem>>) src(%dma_wait3A_196 : memref<512xi32, #tpu.memory_space<hbm>>) dst(%arg12 : memref<512xi32, #tpu.memory_space<vmem>>)
      tpu.yield
    }) : () -> ()
    "tpu.region"() ({
      %run_scoped3A = tpu.sem_alloc : memref<!tpu.dma_semaphore, #tpu.memory_space<semaphore_mem>>
      %dma_start3A_193 = tpu.memref_slice %arg7[%mul3A_2] : memref<16384xi32, #tpu.memory_space<hbm>> -> memref<512xi32, #tpu.memory_space<hbm>>
      %dma_start3A_194 = tpu.memref_slice %arg7[%mul3A_2] : memref<16384xi32, #tpu.memory_space<hbm>> -> memref<512xi32, #tpu.memory_space<hbm>>
      tpu.enqueue_dma source(%dma_start3A_194 : memref<512xi32, #tpu.memory_space<hbm>>) target(%arg13 : memref<512xi32, #tpu.memory_space<vmem>>) target_semaphore(%run_scoped3A : memref<!tpu.dma_semaphore, #tpu.memory_space<semaphore_mem>>)
      %dma_wait3A_195 = tpu.memref_slice %arg7[%mul3A_2] : memref<16384xi32, #tpu.memory_space<hbm>> -> memref<512xi32, #tpu.memory_space<hbm>>
      %dma_wait3A_196 = tpu.memref_slice %arg7[%mul3A_2] : memref<16384xi32, #tpu.memory_space<hbm>> -> memref<512xi32, #tpu.memory_space<hbm>>
      tpu.wait_dma2 semaphore(%run_scoped3A : memref<!tpu.dma_semaphore, #tpu.memory_space<semaphore_mem>>) src(%dma_wait3A_196 : memref<512xi32, #tpu.memory_space<hbm>>) dst(%arg13 : memref<512xi32, #tpu.memory_space<vmem>>)
      tpu.yield
    }) : () -> ()
    %dma_start3A = arith.constant 0 : i32
    %dma_start3A_3 = arith.constant 0 : i32
    %dma_start3A_4 = tpu.memref_slice %arg14[%dma_start3A, %dma_start3A_3] : memref<512x16xf32, #tpu.memory_space<vmem>> -> memref<128x16xf32, #tpu.memory_space<vmem>>
    %dma_start3A_5 = arith.constant 0 : i32
    %dma_start3A_6 = tpu.memref_slice %arg11[%dma_start3A_5] : memref<512xi32, #tpu.memory_space<vmem>> -> memref<128xi32, #tpu.memory_space<vmem>>
    %dma_start3A_7 = arith.constant 0 : i32
    %dma_start3A_8 = arith.constant 0 : i32
    %dma_start3A_9 = tpu.memref_slice %arg2[%dma_start3A_7, %dma_start3A_8] : memref<1000000x16xf32, #tpu.memory_space<hbm>> -> memref<1000000x16xf32, #tpu.memory_space<hbm>>
    tpu.enqueue_indirect_dma source(%dma_start3A_9 : memref<1000000x16xf32, #tpu.memory_space<hbm>>) target(%dma_start3A_4 : memref<128x16xf32, #tpu.memory_space<vmem>>) offsets(%dma_start3A_6 : memref<128xi32, #tpu.memory_space<vmem>>) semaphore(%arg17 : memref<!tpu.dma_semaphore, #tpu.memory_space<semaphore_mem>>)
    %dma_start3A_10 = arith.constant 128 : i32
    %dma_start3A_11 = arith.constant 0 : i32
    %dma_start3A_12 = tpu.memref_slice %arg14[%dma_start3A_10, %dma_start3A_11] : memref<512x16xf32, #tpu.memory_space<vmem>> -> memref<128x16xf32, #tpu.memory_space<vmem>>
    %dma_start3A_13 = arith.constant 128 : i32
    %dma_start3A_14 = tpu.memref_slice %arg11[%dma_start3A_13] : memref<512xi32, #tpu.memory_space<vmem>> -> memref<128xi32, #tpu.memory_space<vmem>>
    %dma_start3A_15 = arith.constant 0 : i32
    %dma_start3A_16 = arith.constant 0 : i32
    %dma_start3A_17 = tpu.memref_slice %arg2[%dma_start3A_15, %dma_start3A_16] : memref<1000000x16xf32, #tpu.memory_space<hbm>> -> memref<1000000x16xf32, #tpu.memory_space<hbm>>
    tpu.enqueue_indirect_dma source(%dma_start3A_17 : memref<1000000x16xf32, #tpu.memory_space<hbm>>) target(%dma_start3A_12 : memref<128x16xf32, #tpu.memory_space<vmem>>) offsets(%dma_start3A_14 : memref<128xi32, #tpu.memory_space<vmem>>) semaphore(%arg17 : memref<!tpu.dma_semaphore, #tpu.memory_space<semaphore_mem>>)
    %dma_start3A_18 = arith.constant 256 : i32
    %dma_start3A_19 = arith.constant 0 : i32
    %dma_start3A_20 = tpu.memref_slice %arg14[%dma_start3A_18, %dma_start3A_19] : memref<512x16xf32, #tpu.memory_space<vmem>> -> memref<128x16xf32, #tpu.memory_space<vmem>>
    %dma_start3A_21 = arith.constant 256 : i32
    %dma_start3A_22 = tpu.memref_slice %arg11[%dma_start3A_21] : memref<512xi32, #tpu.memory_space<vmem>> -> memref<128xi32, #tpu.memory_space<vmem>>
    %dma_start3A_23 = arith.constant 0 : i32
    %dma_start3A_24 = arith.constant 0 : i32
    %dma_start3A_25 = tpu.memref_slice %arg2[%dma_start3A_23, %dma_start3A_24] : memref<1000000x16xf32, #tpu.memory_space<hbm>> -> memref<1000000x16xf32, #tpu.memory_space<hbm>>
    tpu.enqueue_indirect_dma source(%dma_start3A_25 : memref<1000000x16xf32, #tpu.memory_space<hbm>>) target(%dma_start3A_20 : memref<128x16xf32, #tpu.memory_space<vmem>>) offsets(%dma_start3A_22 : memref<128xi32, #tpu.memory_space<vmem>>) semaphore(%arg17 : memref<!tpu.dma_semaphore, #tpu.memory_space<semaphore_mem>>)
    %dma_start3A_26 = arith.constant 384 : i32
    %dma_start3A_27 = arith.constant 0 : i32
    %dma_start3A_28 = tpu.memref_slice %arg14[%dma_start3A_26, %dma_start3A_27] : memref<512x16xf32, #tpu.memory_space<vmem>> -> memref<128x16xf32, #tpu.memory_space<vmem>>
    %dma_start3A_29 = arith.constant 384 : i32
    %dma_start3A_30 = tpu.memref_slice %arg11[%dma_start3A_29] : memref<512xi32, #tpu.memory_space<vmem>> -> memref<128xi32, #tpu.memory_space<vmem>>
    %dma_start3A_31 = arith.constant 0 : i32
    %dma_start3A_32 = arith.constant 0 : i32
    %dma_start3A_33 = tpu.memref_slice %arg2[%dma_start3A_31, %dma_start3A_32] : memref<1000000x16xf32, #tpu.memory_space<hbm>> -> memref<1000000x16xf32, #tpu.memory_space<hbm>>
    tpu.enqueue_indirect_dma source(%dma_start3A_33 : memref<1000000x16xf32, #tpu.memory_space<hbm>>) target(%dma_start3A_28 : memref<128x16xf32, #tpu.memory_space<vmem>>) offsets(%dma_start3A_30 : memref<128xi32, #tpu.memory_space<vmem>>) semaphore(%arg17 : memref<!tpu.dma_semaphore, #tpu.memory_space<semaphore_mem>>)
    %dma_start3A_34 = arith.constant 0 : i32
    %dma_start3A_35 = arith.constant 0 : i32
    %dma_start3A_36 = tpu.memref_slice %arg15[%dma_start3A_34, %dma_start3A_35] : memref<512x16xf32, #tpu.memory_space<vmem>> -> memref<128x16xf32, #tpu.memory_space<vmem>>
    %dma_start3A_37 = arith.constant 0 : i32
    %dma_start3A_38 = tpu.memref_slice %arg12[%dma_start3A_37] : memref<512xi32, #tpu.memory_space<vmem>> -> memref<128xi32, #tpu.memory_space<vmem>>
    %dma_start3A_39 = arith.constant 0 : i32
    %dma_start3A_40 = arith.constant 0 : i32
    %dma_start3A_41 = tpu.memref_slice %arg3[%dma_start3A_39, %dma_start3A_40] : memref<100000x16xf32, #tpu.memory_space<hbm>> -> memref<100000x16xf32, #tpu.memory_space<hbm>>
    tpu.enqueue_indirect_dma source(%dma_start3A_41 : memref<100000x16xf32, #tpu.memory_space<hbm>>) target(%dma_start3A_36 : memref<128x16xf32, #tpu.memory_space<vmem>>) offsets(%dma_start3A_38 : memref<128xi32, #tpu.memory_space<vmem>>) semaphore(%arg17 : memref<!tpu.dma_semaphore, #tpu.memory_space<semaphore_mem>>)
    %dma_start3A_42 = arith.constant 128 : i32
    %dma_start3A_43 = arith.constant 0 : i32
    %dma_start3A_44 = tpu.memref_slice %arg15[%dma_start3A_42, %dma_start3A_43] : memref<512x16xf32, #tpu.memory_space<vmem>> -> memref<128x16xf32, #tpu.memory_space<vmem>>
    %dma_start3A_45 = arith.constant 128 : i32
    %dma_start3A_46 = tpu.memref_slice %arg12[%dma_start3A_45] : memref<512xi32, #tpu.memory_space<vmem>> -> memref<128xi32, #tpu.memory_space<vmem>>
    %dma_start3A_47 = arith.constant 0 : i32
    %dma_start3A_48 = arith.constant 0 : i32
    %dma_start3A_49 = tpu.memref_slice %arg3[%dma_start3A_47, %dma_start3A_48] : memref<100000x16xf32, #tpu.memory_space<hbm>> -> memref<100000x16xf32, #tpu.memory_space<hbm>>
    tpu.enqueue_indirect_dma source(%dma_start3A_49 : memref<100000x16xf32, #tpu.memory_space<hbm>>) target(%dma_start3A_44 : memref<128x16xf32, #tpu.memory_space<vmem>>) offsets(%dma_start3A_46 : memref<128xi32, #tpu.memory_space<vmem>>) semaphore(%arg17 : memref<!tpu.dma_semaphore, #tpu.memory_space<semaphore_mem>>)
    %dma_start3A_50 = arith.constant 256 : i32
    %dma_start3A_51 = arith.constant 0 : i32
    %dma_start3A_52 = tpu.memref_slice %arg15[%dma_start3A_50, %dma_start3A_51] : memref<512x16xf32, #tpu.memory_space<vmem>> -> memref<128x16xf32, #tpu.memory_space<vmem>>
    %dma_start3A_53 = arith.constant 256 : i32
    %dma_start3A_54 = tpu.memref_slice %arg12[%dma_start3A_53] : memref<512xi32, #tpu.memory_space<vmem>> -> memref<128xi32, #tpu.memory_space<vmem>>
    %dma_start3A_55 = arith.constant 0 : i32
    %dma_start3A_56 = arith.constant 0 : i32
    %dma_start3A_57 = tpu.memref_slice %arg3[%dma_start3A_55, %dma_start3A_56] : memref<100000x16xf32, #tpu.memory_space<hbm>> -> memref<100000x16xf32, #tpu.memory_space<hbm>>
    tpu.enqueue_indirect_dma source(%dma_start3A_57 : memref<100000x16xf32, #tpu.memory_space<hbm>>) target(%dma_start3A_52 : memref<128x16xf32, #tpu.memory_space<vmem>>) offsets(%dma_start3A_54 : memref<128xi32, #tpu.memory_space<vmem>>) semaphore(%arg17 : memref<!tpu.dma_semaphore, #tpu.memory_space<semaphore_mem>>)
    %dma_start3A_58 = arith.constant 384 : i32
    %dma_start3A_59 = arith.constant 0 : i32
    %dma_start3A_60 = tpu.memref_slice %arg15[%dma_start3A_58, %dma_start3A_59] : memref<512x16xf32, #tpu.memory_space<vmem>> -> memref<128x16xf32, #tpu.memory_space<vmem>>
    %dma_start3A_61 = arith.constant 384 : i32
    %dma_start3A_62 = tpu.memref_slice %arg12[%dma_start3A_61] : memref<512xi32, #tpu.memory_space<vmem>> -> memref<128xi32, #tpu.memory_space<vmem>>
    %dma_start3A_63 = arith.constant 0 : i32
    %dma_start3A_64 = arith.constant 0 : i32
    %dma_start3A_65 = tpu.memref_slice %arg3[%dma_start3A_63, %dma_start3A_64] : memref<100000x16xf32, #tpu.memory_space<hbm>> -> memref<100000x16xf32, #tpu.memory_space<hbm>>
    tpu.enqueue_indirect_dma source(%dma_start3A_65 : memref<100000x16xf32, #tpu.memory_space<hbm>>) target(%dma_start3A_60 : memref<128x16xf32, #tpu.memory_space<vmem>>) offsets(%dma_start3A_62 : memref<128xi32, #tpu.memory_space<vmem>>) semaphore(%arg17 : memref<!tpu.dma_semaphore, #tpu.memory_space<semaphore_mem>>)
    %dma_start3A_66 = arith.constant 0 : i32
    %dma_start3A_67 = arith.constant 0 : i32
    %dma_start3A_68 = tpu.memref_slice %arg16[%dma_start3A_66, %dma_start3A_67] : memref<512x16xf32, #tpu.memory_space<vmem>> -> memref<128x16xf32, #tpu.memory_space<vmem>>
    %dma_start3A_69 = arith.constant 0 : i32
    %dma_start3A_70 = tpu.memref_slice %arg13[%dma_start3A_69] : memref<512xi32, #tpu.memory_space<vmem>> -> memref<128xi32, #tpu.memory_space<vmem>>
    %dma_start3A_71 = arith.constant 0 : i32
    %dma_start3A_72 = arith.constant 0 : i32
    %dma_start3A_73 = tpu.memref_slice %arg4[%dma_start3A_71, %dma_start3A_72] : memref<1000x16xf32, #tpu.memory_space<hbm>> -> memref<1000x16xf32, #tpu.memory_space<hbm>>
    tpu.enqueue_indirect_dma source(%dma_start3A_73 : memref<1000x16xf32, #tpu.memory_space<hbm>>) target(%dma_start3A_68 : memref<128x16xf32, #tpu.memory_space<vmem>>) offsets(%dma_start3A_70 : memref<128xi32, #tpu.memory_space<vmem>>) semaphore(%arg17 : memref<!tpu.dma_semaphore, #tpu.memory_space<semaphore_mem>>)
    %dma_start3A_74 = arith.constant 128 : i32
    %dma_start3A_75 = arith.constant 0 : i32
    %dma_start3A_76 = tpu.memref_slice %arg16[%dma_start3A_74, %dma_start3A_75] : memref<512x16xf32, #tpu.memory_space<vmem>> -> memref<128x16xf32, #tpu.memory_space<vmem>>
    %dma_start3A_77 = arith.constant 128 : i32
    %dma_start3A_78 = tpu.memref_slice %arg13[%dma_start3A_77] : memref<512xi32, #tpu.memory_space<vmem>> -> memref<128xi32, #tpu.memory_space<vmem>>
    %dma_start3A_79 = arith.constant 0 : i32
    %dma_start3A_80 = arith.constant 0 : i32
    %dma_start3A_81 = tpu.memref_slice %arg4[%dma_start3A_79, %dma_start3A_80] : memref<1000x16xf32, #tpu.memory_space<hbm>> -> memref<1000x16xf32, #tpu.memory_space<hbm>>
    tpu.enqueue_indirect_dma source(%dma_start3A_81 : memref<1000x16xf32, #tpu.memory_space<hbm>>) target(%dma_start3A_76 : memref<128x16xf32, #tpu.memory_space<vmem>>) offsets(%dma_start3A_78 : memref<128xi32, #tpu.memory_space<vmem>>) semaphore(%arg17 : memref<!tpu.dma_semaphore, #tpu.memory_space<semaphore_mem>>)
    %dma_start3A_82 = arith.constant 256 : i32
    %dma_start3A_83 = arith.constant 0 : i32
    %dma_start3A_84 = tpu.memref_slice %arg16[%dma_start3A_82, %dma_start3A_83] : memref<512x16xf32, #tpu.memory_space<vmem>> -> memref<128x16xf32, #tpu.memory_space<vmem>>
    %dma_start3A_85 = arith.constant 256 : i32
    %dma_start3A_86 = tpu.memref_slice %arg13[%dma_start3A_85] : memref<512xi32, #tpu.memory_space<vmem>> -> memref<128xi32, #tpu.memory_space<vmem>>
    %dma_start3A_87 = arith.constant 0 : i32
    %dma_start3A_88 = arith.constant 0 : i32
    %dma_start3A_89 = tpu.memref_slice %arg4[%dma_start3A_87, %dma_start3A_88] : memref<1000x16xf32, #tpu.memory_space<hbm>> -> memref<1000x16xf32, #tpu.memory_space<hbm>>
    tpu.enqueue_indirect_dma source(%dma_start3A_89 : memref<1000x16xf32, #tpu.memory_space<hbm>>) target(%dma_start3A_84 : memref<128x16xf32, #tpu.memory_space<vmem>>) offsets(%dma_start3A_86 : memref<128xi32, #tpu.memory_space<vmem>>) semaphore(%arg17 : memref<!tpu.dma_semaphore, #tpu.memory_space<semaphore_mem>>)
    %dma_start3A_90 = arith.constant 384 : i32
    %dma_start3A_91 = arith.constant 0 : i32
    %dma_start3A_92 = tpu.memref_slice %arg16[%dma_start3A_90, %dma_start3A_91] : memref<512x16xf32, #tpu.memory_space<vmem>> -> memref<128x16xf32, #tpu.memory_space<vmem>>
    %dma_start3A_93 = arith.constant 384 : i32
    %dma_start3A_94 = tpu.memref_slice %arg13[%dma_start3A_93] : memref<512xi32, #tpu.memory_space<vmem>> -> memref<128xi32, #tpu.memory_space<vmem>>
    %dma_start3A_95 = arith.constant 0 : i32
    %dma_start3A_96 = arith.constant 0 : i32
    %dma_start3A_97 = tpu.memref_slice %arg4[%dma_start3A_95, %dma_start3A_96] : memref<1000x16xf32, #tpu.memory_space<hbm>> -> memref<1000x16xf32, #tpu.memory_space<hbm>>
    tpu.enqueue_indirect_dma source(%dma_start3A_97 : memref<1000x16xf32, #tpu.memory_space<hbm>>) target(%dma_start3A_92 : memref<128x16xf32, #tpu.memory_space<vmem>>) offsets(%dma_start3A_94 : memref<128xi32, #tpu.memory_space<vmem>>) semaphore(%arg17 : memref<!tpu.dma_semaphore, #tpu.memory_space<semaphore_mem>>)
    %dma_wait3A = arith.constant 0 : i32
    %dma_wait3A_98 = arith.constant 0 : i32
    %dma_wait3A_99 = tpu.memref_slice %arg14[%dma_wait3A, %dma_wait3A_98] : memref<512x16xf32, #tpu.memory_space<vmem>> -> memref<128x16xf32, #tpu.memory_space<vmem>>
    %dma_wait3A_100 = arith.constant 0 : i32
    %dma_wait3A_101 = tpu.memref_slice %arg11[%dma_wait3A_100] : memref<512xi32, #tpu.memory_space<vmem>> -> memref<128xi32, #tpu.memory_space<vmem>>
    %dma_wait3A_102 = arith.constant 0 : i32
    %dma_wait3A_103 = arith.constant 0 : i32
    %dma_wait3A_104 = tpu.memref_slice %arg2[%dma_wait3A_102, %dma_wait3A_103] : memref<1000000x16xf32, #tpu.memory_space<hbm>> -> memref<1000000x16xf32, #tpu.memory_space<hbm>>
    tpu.wait_indirect_dma semaphore(%arg17 : memref<!tpu.dma_semaphore, #tpu.memory_space<semaphore_mem>>) src(%dma_wait3A_104 : memref<1000000x16xf32, #tpu.memory_space<hbm>>) dst(%dma_wait3A_99 : memref<128x16xf32, #tpu.memory_space<vmem>>)
    %dma_wait3A_105 = arith.constant 128 : i32
    %dma_wait3A_106 = arith.constant 0 : i32
    %dma_wait3A_107 = tpu.memref_slice %arg14[%dma_wait3A_105, %dma_wait3A_106] : memref<512x16xf32, #tpu.memory_space<vmem>> -> memref<128x16xf32, #tpu.memory_space<vmem>>
    %dma_wait3A_108 = arith.constant 128 : i32
    %dma_wait3A_109 = tpu.memref_slice %arg11[%dma_wait3A_108] : memref<512xi32, #tpu.memory_space<vmem>> -> memref<128xi32, #tpu.memory_space<vmem>>
    %dma_wait3A_110 = arith.constant 0 : i32
    %dma_wait3A_111 = arith.constant 0 : i32
    %dma_wait3A_112 = tpu.memref_slice %arg2[%dma_wait3A_110, %dma_wait3A_111] : memref<1000000x16xf32, #tpu.memory_space<hbm>> -> memref<1000000x16xf32, #tpu.memory_space<hbm>>
    tpu.wait_indirect_dma semaphore(%arg17 : memref<!tpu.dma_semaphore, #tpu.memory_space<semaphore_mem>>) src(%dma_wait3A_112 : memref<1000000x16xf32, #tpu.memory_space<hbm>>) dst(%dma_wait3A_107 : memref<128x16xf32, #tpu.memory_space<vmem>>)
    %dma_wait3A_113 = arith.constant 256 : i32
    %dma_wait3A_114 = arith.constant 0 : i32
    %dma_wait3A_115 = tpu.memref_slice %arg14[%dma_wait3A_113, %dma_wait3A_114] : memref<512x16xf32, #tpu.memory_space<vmem>> -> memref<128x16xf32, #tpu.memory_space<vmem>>
    %dma_wait3A_116 = arith.constant 256 : i32
    %dma_wait3A_117 = tpu.memref_slice %arg11[%dma_wait3A_116] : memref<512xi32, #tpu.memory_space<vmem>> -> memref<128xi32, #tpu.memory_space<vmem>>
    %dma_wait3A_118 = arith.constant 0 : i32
    %dma_wait3A_119 = arith.constant 0 : i32
    %dma_wait3A_120 = tpu.memref_slice %arg2[%dma_wait3A_118, %dma_wait3A_119] : memref<1000000x16xf32, #tpu.memory_space<hbm>> -> memref<1000000x16xf32, #tpu.memory_space<hbm>>
    tpu.wait_indirect_dma semaphore(%arg17 : memref<!tpu.dma_semaphore, #tpu.memory_space<semaphore_mem>>) src(%dma_wait3A_120 : memref<1000000x16xf32, #tpu.memory_space<hbm>>) dst(%dma_wait3A_115 : memref<128x16xf32, #tpu.memory_space<vmem>>)
    %dma_wait3A_121 = arith.constant 384 : i32
    %dma_wait3A_122 = arith.constant 0 : i32
    %dma_wait3A_123 = tpu.memref_slice %arg14[%dma_wait3A_121, %dma_wait3A_122] : memref<512x16xf32, #tpu.memory_space<vmem>> -> memref<128x16xf32, #tpu.memory_space<vmem>>
    %dma_wait3A_124 = arith.constant 384 : i32
    %dma_wait3A_125 = tpu.memref_slice %arg11[%dma_wait3A_124] : memref<512xi32, #tpu.memory_space<vmem>> -> memref<128xi32, #tpu.memory_space<vmem>>
    %dma_wait3A_126 = arith.constant 0 : i32
    %dma_wait3A_127 = arith.constant 0 : i32
    %dma_wait3A_128 = tpu.memref_slice %arg2[%dma_wait3A_126, %dma_wait3A_127] : memref<1000000x16xf32, #tpu.memory_space<hbm>> -> memref<1000000x16xf32, #tpu.memory_space<hbm>>
    tpu.wait_indirect_dma semaphore(%arg17 : memref<!tpu.dma_semaphore, #tpu.memory_space<semaphore_mem>>) src(%dma_wait3A_128 : memref<1000000x16xf32, #tpu.memory_space<hbm>>) dst(%dma_wait3A_123 : memref<128x16xf32, #tpu.memory_space<vmem>>)
    %dma_wait3A_129 = arith.constant 0 : i32
    %dma_wait3A_130 = arith.constant 0 : i32
    %dma_wait3A_131 = tpu.memref_slice %arg15[%dma_wait3A_129, %dma_wait3A_130] : memref<512x16xf32, #tpu.memory_space<vmem>> -> memref<128x16xf32, #tpu.memory_space<vmem>>
    %dma_wait3A_132 = arith.constant 0 : i32
    %dma_wait3A_133 = tpu.memref_slice %arg12[%dma_wait3A_132] : memref<512xi32, #tpu.memory_space<vmem>> -> memref<128xi32, #tpu.memory_space<vmem>>
    %dma_wait3A_134 = arith.constant 0 : i32
    %dma_wait3A_135 = arith.constant 0 : i32
    %dma_wait3A_136 = tpu.memref_slice %arg3[%dma_wait3A_134, %dma_wait3A_135] : memref<100000x16xf32, #tpu.memory_space<hbm>> -> memref<100000x16xf32, #tpu.memory_space<hbm>>
    tpu.wait_indirect_dma semaphore(%arg17 : memref<!tpu.dma_semaphore, #tpu.memory_space<semaphore_mem>>) src(%dma_wait3A_136 : memref<100000x16xf32, #tpu.memory_space<hbm>>) dst(%dma_wait3A_131 : memref<128x16xf32, #tpu.memory_space<vmem>>)
    %dma_wait3A_137 = arith.constant 128 : i32
    %dma_wait3A_138 = arith.constant 0 : i32
    %dma_wait3A_139 = tpu.memref_slice %arg15[%dma_wait3A_137, %dma_wait3A_138] : memref<512x16xf32, #tpu.memory_space<vmem>> -> memref<128x16xf32, #tpu.memory_space<vmem>>
    %dma_wait3A_140 = arith.constant 128 : i32
    %dma_wait3A_141 = tpu.memref_slice %arg12[%dma_wait3A_140] : memref<512xi32, #tpu.memory_space<vmem>> -> memref<128xi32, #tpu.memory_space<vmem>>
    %dma_wait3A_142 = arith.constant 0 : i32
    %dma_wait3A_143 = arith.constant 0 : i32
    %dma_wait3A_144 = tpu.memref_slice %arg3[%dma_wait3A_142, %dma_wait3A_143] : memref<100000x16xf32, #tpu.memory_space<hbm>> -> memref<100000x16xf32, #tpu.memory_space<hbm>>
    tpu.wait_indirect_dma semaphore(%arg17 : memref<!tpu.dma_semaphore, #tpu.memory_space<semaphore_mem>>) src(%dma_wait3A_144 : memref<100000x16xf32, #tpu.memory_space<hbm>>) dst(%dma_wait3A_139 : memref<128x16xf32, #tpu.memory_space<vmem>>)
    %dma_wait3A_145 = arith.constant 256 : i32
    %dma_wait3A_146 = arith.constant 0 : i32
    %dma_wait3A_147 = tpu.memref_slice %arg15[%dma_wait3A_145, %dma_wait3A_146] : memref<512x16xf32, #tpu.memory_space<vmem>> -> memref<128x16xf32, #tpu.memory_space<vmem>>
    %dma_wait3A_148 = arith.constant 256 : i32
    %dma_wait3A_149 = tpu.memref_slice %arg12[%dma_wait3A_148] : memref<512xi32, #tpu.memory_space<vmem>> -> memref<128xi32, #tpu.memory_space<vmem>>
    %dma_wait3A_150 = arith.constant 0 : i32
    %dma_wait3A_151 = arith.constant 0 : i32
    %dma_wait3A_152 = tpu.memref_slice %arg3[%dma_wait3A_150, %dma_wait3A_151] : memref<100000x16xf32, #tpu.memory_space<hbm>> -> memref<100000x16xf32, #tpu.memory_space<hbm>>
    tpu.wait_indirect_dma semaphore(%arg17 : memref<!tpu.dma_semaphore, #tpu.memory_space<semaphore_mem>>) src(%dma_wait3A_152 : memref<100000x16xf32, #tpu.memory_space<hbm>>) dst(%dma_wait3A_147 : memref<128x16xf32, #tpu.memory_space<vmem>>)
    %dma_wait3A_153 = arith.constant 384 : i32
    %dma_wait3A_154 = arith.constant 0 : i32
    %dma_wait3A_155 = tpu.memref_slice %arg15[%dma_wait3A_153, %dma_wait3A_154] : memref<512x16xf32, #tpu.memory_space<vmem>> -> memref<128x16xf32, #tpu.memory_space<vmem>>
    %dma_wait3A_156 = arith.constant 384 : i32
    %dma_wait3A_157 = tpu.memref_slice %arg12[%dma_wait3A_156] : memref<512xi32, #tpu.memory_space<vmem>> -> memref<128xi32, #tpu.memory_space<vmem>>
    %dma_wait3A_158 = arith.constant 0 : i32
    %dma_wait3A_159 = arith.constant 0 : i32
    %dma_wait3A_160 = tpu.memref_slice %arg3[%dma_wait3A_158, %dma_wait3A_159] : memref<100000x16xf32, #tpu.memory_space<hbm>> -> memref<100000x16xf32, #tpu.memory_space<hbm>>
    tpu.wait_indirect_dma semaphore(%arg17 : memref<!tpu.dma_semaphore, #tpu.memory_space<semaphore_mem>>) src(%dma_wait3A_160 : memref<100000x16xf32, #tpu.memory_space<hbm>>) dst(%dma_wait3A_155 : memref<128x16xf32, #tpu.memory_space<vmem>>)
    %dma_wait3A_161 = arith.constant 0 : i32
    %dma_wait3A_162 = arith.constant 0 : i32
    %dma_wait3A_163 = tpu.memref_slice %arg16[%dma_wait3A_161, %dma_wait3A_162] : memref<512x16xf32, #tpu.memory_space<vmem>> -> memref<128x16xf32, #tpu.memory_space<vmem>>
    %dma_wait3A_164 = arith.constant 0 : i32
    %dma_wait3A_165 = tpu.memref_slice %arg13[%dma_wait3A_164] : memref<512xi32, #tpu.memory_space<vmem>> -> memref<128xi32, #tpu.memory_space<vmem>>
    %dma_wait3A_166 = arith.constant 0 : i32
    %dma_wait3A_167 = arith.constant 0 : i32
    %dma_wait3A_168 = tpu.memref_slice %arg4[%dma_wait3A_166, %dma_wait3A_167] : memref<1000x16xf32, #tpu.memory_space<hbm>> -> memref<1000x16xf32, #tpu.memory_space<hbm>>
    tpu.wait_indirect_dma semaphore(%arg17 : memref<!tpu.dma_semaphore, #tpu.memory_space<semaphore_mem>>) src(%dma_wait3A_168 : memref<1000x16xf32, #tpu.memory_space<hbm>>) dst(%dma_wait3A_163 : memref<128x16xf32, #tpu.memory_space<vmem>>)
    %dma_wait3A_169 = arith.constant 128 : i32
    %dma_wait3A_170 = arith.constant 0 : i32
    %dma_wait3A_171 = tpu.memref_slice %arg16[%dma_wait3A_169, %dma_wait3A_170] : memref<512x16xf32, #tpu.memory_space<vmem>> -> memref<128x16xf32, #tpu.memory_space<vmem>>
    %dma_wait3A_172 = arith.constant 128 : i32
    %dma_wait3A_173 = tpu.memref_slice %arg13[%dma_wait3A_172] : memref<512xi32, #tpu.memory_space<vmem>> -> memref<128xi32, #tpu.memory_space<vmem>>
    %dma_wait3A_174 = arith.constant 0 : i32
    %dma_wait3A_175 = arith.constant 0 : i32
    %dma_wait3A_176 = tpu.memref_slice %arg4[%dma_wait3A_174, %dma_wait3A_175] : memref<1000x16xf32, #tpu.memory_space<hbm>> -> memref<1000x16xf32, #tpu.memory_space<hbm>>
    tpu.wait_indirect_dma semaphore(%arg17 : memref<!tpu.dma_semaphore, #tpu.memory_space<semaphore_mem>>) src(%dma_wait3A_176 : memref<1000x16xf32, #tpu.memory_space<hbm>>) dst(%dma_wait3A_171 : memref<128x16xf32, #tpu.memory_space<vmem>>)
    %dma_wait3A_177 = arith.constant 256 : i32
    %dma_wait3A_178 = arith.constant 0 : i32
    %dma_wait3A_179 = tpu.memref_slice %arg16[%dma_wait3A_177, %dma_wait3A_178] : memref<512x16xf32, #tpu.memory_space<vmem>> -> memref<128x16xf32, #tpu.memory_space<vmem>>
    %dma_wait3A_180 = arith.constant 256 : i32
    %dma_wait3A_181 = tpu.memref_slice %arg13[%dma_wait3A_180] : memref<512xi32, #tpu.memory_space<vmem>> -> memref<128xi32, #tpu.memory_space<vmem>>
    %dma_wait3A_182 = arith.constant 0 : i32
    %dma_wait3A_183 = arith.constant 0 : i32
    %dma_wait3A_184 = tpu.memref_slice %arg4[%dma_wait3A_182, %dma_wait3A_183] : memref<1000x16xf32, #tpu.memory_space<hbm>> -> memref<1000x16xf32, #tpu.memory_space<hbm>>
    tpu.wait_indirect_dma semaphore(%arg17 : memref<!tpu.dma_semaphore, #tpu.memory_space<semaphore_mem>>) src(%dma_wait3A_184 : memref<1000x16xf32, #tpu.memory_space<hbm>>) dst(%dma_wait3A_179 : memref<128x16xf32, #tpu.memory_space<vmem>>)
    %dma_wait3A_185 = arith.constant 384 : i32
    %dma_wait3A_186 = arith.constant 0 : i32
    %dma_wait3A_187 = tpu.memref_slice %arg16[%dma_wait3A_185, %dma_wait3A_186] : memref<512x16xf32, #tpu.memory_space<vmem>> -> memref<128x16xf32, #tpu.memory_space<vmem>>
    %dma_wait3A_188 = arith.constant 384 : i32
    %dma_wait3A_189 = tpu.memref_slice %arg13[%dma_wait3A_188] : memref<512xi32, #tpu.memory_space<vmem>> -> memref<128xi32, #tpu.memory_space<vmem>>
    %dma_wait3A_190 = arith.constant 0 : i32
    %dma_wait3A_191 = arith.constant 0 : i32
    %dma_wait3A_192 = tpu.memref_slice %arg4[%dma_wait3A_190, %dma_wait3A_191] : memref<1000x16xf32, #tpu.memory_space<hbm>> -> memref<1000x16xf32, #tpu.memory_space<hbm>>
    tpu.wait_indirect_dma semaphore(%arg17 : memref<!tpu.dma_semaphore, #tpu.memory_space<semaphore_mem>>) src(%dma_wait3A_192 : memref<1000x16xf32, #tpu.memory_space<hbm>>) dst(%dma_wait3A_187 : memref<128x16xf32, #tpu.memory_space<vmem>>)
    "tpu.region"() ({
      %run_scoped3A = tpu.sem_alloc : memref<!tpu.dma_semaphore, #tpu.memory_space<semaphore_mem>>
      %dma_start3A_193 = arith.constant 0 : i32
      %dma_start3A_194 = tpu.memref_slice %arg8[%mul3A_2, %dma_start3A_193] : memref<16384x16xf32, #tpu.memory_space<hbm>> -> memref<512x16xf32, #tpu.memory_space<hbm>>
      %dma_start3A_195 = arith.constant 0 : i32
      %dma_start3A_196 = tpu.memref_slice %arg8[%mul3A_2, %dma_start3A_195] : memref<16384x16xf32, #tpu.memory_space<hbm>> -> memref<512x16xf32, #tpu.memory_space<hbm>>
      tpu.enqueue_dma source(%arg14 : memref<512x16xf32, #tpu.memory_space<vmem>>) target(%dma_start3A_196 : memref<512x16xf32, #tpu.memory_space<hbm>>) target_semaphore(%run_scoped3A : memref<!tpu.dma_semaphore, #tpu.memory_space<semaphore_mem>>)
      %dma_wait3A_197 = arith.constant 0 : i32
      %dma_wait3A_198 = tpu.memref_slice %arg8[%mul3A_2, %dma_wait3A_197] : memref<16384x16xf32, #tpu.memory_space<hbm>> -> memref<512x16xf32, #tpu.memory_space<hbm>>
      %dma_wait3A_199 = arith.constant 0 : i32
      %dma_wait3A_200 = tpu.memref_slice %arg8[%mul3A_2, %dma_wait3A_199] : memref<16384x16xf32, #tpu.memory_space<hbm>> -> memref<512x16xf32, #tpu.memory_space<hbm>>
      tpu.wait_dma2 semaphore(%run_scoped3A : memref<!tpu.dma_semaphore, #tpu.memory_space<semaphore_mem>>) src(%arg14 : memref<512x16xf32, #tpu.memory_space<vmem>>) dst(%dma_wait3A_200 : memref<512x16xf32, #tpu.memory_space<hbm>>)
      tpu.yield
    }) : () -> ()
    "tpu.region"() ({
      %run_scoped3A = tpu.sem_alloc : memref<!tpu.dma_semaphore, #tpu.memory_space<semaphore_mem>>
      %dma_start3A_193 = arith.constant 0 : i32
      %dma_start3A_194 = tpu.memref_slice %arg9[%mul3A_2, %dma_start3A_193] : memref<16384x16xf32, #tpu.memory_space<hbm>> -> memref<512x16xf32, #tpu.memory_space<hbm>>
      %dma_start3A_195 = arith.constant 0 : i32
      %dma_start3A_196 = tpu.memref_slice %arg9[%mul3A_2, %dma_start3A_195] : memref<16384x16xf32, #tpu.memory_space<hbm>> -> memref<512x16xf32, #tpu.memory_space<hbm>>
      tpu.enqueue_dma source(%arg15 : memref<512x16xf32, #tpu.memory_space<vmem>>) target(%dma_start3A_196 : memref<512x16xf32, #tpu.memory_space<hbm>>) target_semaphore(%run_scoped3A : memref<!tpu.dma_semaphore, #tpu.memory_space<semaphore_mem>>)
      %dma_wait3A_197 = arith.constant 0 : i32
      %dma_wait3A_198 = tpu.memref_slice %arg9[%mul3A_2, %dma_wait3A_197] : memref<16384x16xf32, #tpu.memory_space<hbm>> -> memref<512x16xf32, #tpu.memory_space<hbm>>
      %dma_wait3A_199 = arith.constant 0 : i32
      %dma_wait3A_200 = tpu.memref_slice %arg9[%mul3A_2, %dma_wait3A_199] : memref<16384x16xf32, #tpu.memory_space<hbm>> -> memref<512x16xf32, #tpu.memory_space<hbm>>
      tpu.wait_dma2 semaphore(%run_scoped3A : memref<!tpu.dma_semaphore, #tpu.memory_space<semaphore_mem>>) src(%arg15 : memref<512x16xf32, #tpu.memory_space<vmem>>) dst(%dma_wait3A_200 : memref<512x16xf32, #tpu.memory_space<hbm>>)
      tpu.yield
    }) : () -> ()
    "tpu.region"() ({
      %run_scoped3A = tpu.sem_alloc : memref<!tpu.dma_semaphore, #tpu.memory_space<semaphore_mem>>
      %dma_start3A_193 = arith.constant 0 : i32
      %dma_start3A_194 = tpu.memref_slice %arg10[%mul3A_2, %dma_start3A_193] : memref<16384x16xf32, #tpu.memory_space<hbm>> -> memref<512x16xf32, #tpu.memory_space<hbm>>
      %dma_start3A_195 = arith.constant 0 : i32
      %dma_start3A_196 = tpu.memref_slice %arg10[%mul3A_2, %dma_start3A_195] : memref<16384x16xf32, #tpu.memory_space<hbm>> -> memref<512x16xf32, #tpu.memory_space<hbm>>
      tpu.enqueue_dma source(%arg16 : memref<512x16xf32, #tpu.memory_space<vmem>>) target(%dma_start3A_196 : memref<512x16xf32, #tpu.memory_space<hbm>>) target_semaphore(%run_scoped3A : memref<!tpu.dma_semaphore, #tpu.memory_space<semaphore_mem>>)
      %dma_wait3A_197 = arith.constant 0 : i32
      %dma_wait3A_198 = tpu.memref_slice %arg10[%mul3A_2, %dma_wait3A_197] : memref<16384x16xf32, #tpu.memory_space<hbm>> -> memref<512x16xf32, #tpu.memory_space<hbm>>
      %dma_wait3A_199 = arith.constant 0 : i32
      %dma_wait3A_200 = tpu.memref_slice %arg10[%mul3A_2, %dma_wait3A_199] : memref<16384x16xf32, #tpu.memory_space<hbm>> -> memref<512x16xf32, #tpu.memory_space<hbm>>
      tpu.wait_dma2 semaphore(%run_scoped3A : memref<!tpu.dma_semaphore, #tpu.memory_space<semaphore_mem>>) src(%arg16 : memref<512x16xf32, #tpu.memory_space<vmem>>) dst(%dma_wait3A_200 : memref<512x16xf32, #tpu.memory_space<hbm>>)
      tpu.yield
    }) : () -> ()
    return
  }
}

module attributes {stable_mosaic.version = 14 : i64} {
  func.func @_mlp_body(%arg0: i32, %arg1: memref<2048x16xf32, #tpu.memory_space<vmem>>, %arg2: memref<2048x16xf32, #tpu.memory_space<vmem>>, %arg3: memref<2048x16xf32, #tpu.memory_space<vmem>>, %arg4: memref<16x64xf32, #tpu.memory_space<vmem>>, %arg5: memref<16x64xf32, #tpu.memory_space<vmem>>, %arg6: memref<16x64xf32, #tpu.memory_space<vmem>>, %arg7: memref<1x64xf32, #tpu.memory_space<vmem>>, %arg8: memref<64x32xf32, #tpu.memory_space<vmem>>, %arg9: memref<1x32xf32, #tpu.memory_space<vmem>>, %arg10: memref<1x32xf32, #tpu.memory_space<vmem>>, %arg11: memref<1x1xf32, #tpu.memory_space<smem>>, %arg12: memref<2048xf32, #tpu.memory_space<vmem>>) attributes {dimension_semantics = [#tpu.dimension_semantics<arbitrary>], iteration_bounds = array<i64: 8>, scalar_prefetch = 0 : i64, scratch_operands = 0 : i64, tpu.core_type = #tpu.core_type<tc>, window_params = [{transform_indices = @transform_0, window_bounds = array<i64: 2048, 16>}, {transform_indices = @transform_1, window_bounds = array<i64: 2048, 16>}, {transform_indices = @transform_2, window_bounds = array<i64: 2048, 16>}, {pipeline_mode = #tpu.pipeline_mode<synchronous>, transform_indices = @transform_3, window_bounds = array<i64: 16, 64>}, {pipeline_mode = #tpu.pipeline_mode<synchronous>, transform_indices = @transform_4, window_bounds = array<i64: 16, 64>}, {pipeline_mode = #tpu.pipeline_mode<synchronous>, transform_indices = @transform_5, window_bounds = array<i64: 16, 64>}, {pipeline_mode = #tpu.pipeline_mode<synchronous>, transform_indices = @transform_6, window_bounds = array<i64: 1, 64>}, {pipeline_mode = #tpu.pipeline_mode<synchronous>, transform_indices = @transform_7, window_bounds = array<i64: 64, 32>}, {pipeline_mode = #tpu.pipeline_mode<synchronous>, transform_indices = @transform_8, window_bounds = array<i64: 1, 32>}, {pipeline_mode = #tpu.pipeline_mode<synchronous>, transform_indices = @transform_9, window_bounds = array<i64: 1, 32>}, {transform_indices = @transform_10, window_bounds = array<i64: 1, 1>}, {transform_indices = @transform_11, window_bounds = array<i64: 2048>}]} {
    %get3A = arith.constant 0 : index
    %get3A_0 = arith.constant 0 : index
    %get3A_1 = vector.load %arg1[%get3A, %get3A_0] : memref<2048x16xf32, #tpu.memory_space<vmem>>, vector<2048x16xf32>
    %get3A_2 = arith.constant 0 : index
    %get3A_3 = arith.constant 0 : index
    %get3A_4 = vector.load %arg4[%get3A_2, %get3A_3] : memref<16x64xf32, #tpu.memory_space<vmem>>, vector<16x64xf32>
    %dot_general3A = arith.constant dense<0.000000e+00> : vector<2048x64xf32>
    %dot_general3A_5 = tpu.matmul %get3A_1, %get3A_4, %dot_general3A {dimension_numbers = #tpu.dot_dimension_numbers<[1], [0], [0], [1], [0, 0, 1, 1], [], []>, transpose_lhs_hint = false} : vector<2048x16xf32>, vector<16x64xf32>, vector<2048x64xf32> -> vector<2048x64xf32>
    %get3A_6 = arith.constant 0 : index
    %get3A_7 = arith.constant 0 : index
    %get3A_8 = vector.load %arg2[%get3A_6, %get3A_7] : memref<2048x16xf32, #tpu.memory_space<vmem>>, vector<2048x16xf32>
    %get3A_9 = arith.constant 0 : index
    %get3A_10 = arith.constant 0 : index
    %get3A_11 = vector.load %arg5[%get3A_9, %get3A_10] : memref<16x64xf32, #tpu.memory_space<vmem>>, vector<16x64xf32>
    %dot_general3A_12 = arith.constant dense<0.000000e+00> : vector<2048x64xf32>
    %dot_general3A_13 = tpu.matmul %get3A_8, %get3A_11, %dot_general3A_12 {dimension_numbers = #tpu.dot_dimension_numbers<[1], [0], [0], [1], [0, 0, 1, 1], [], []>, transpose_lhs_hint = false} : vector<2048x16xf32>, vector<16x64xf32>, vector<2048x64xf32> -> vector<2048x64xf32>
    %add3A = arith.addf %dot_general3A_5, %dot_general3A_13 : vector<2048x64xf32>
    %get3A_14 = arith.constant 0 : index
    %get3A_15 = arith.constant 0 : index
    %get3A_16 = vector.load %arg3[%get3A_14, %get3A_15] : memref<2048x16xf32, #tpu.memory_space<vmem>>, vector<2048x16xf32>
    %get3A_17 = arith.constant 0 : index
    %get3A_18 = arith.constant 0 : index
    %get3A_19 = vector.load %arg6[%get3A_17, %get3A_18] : memref<16x64xf32, #tpu.memory_space<vmem>>, vector<16x64xf32>
    %dot_general3A_20 = arith.constant dense<0.000000e+00> : vector<2048x64xf32>
    %dot_general3A_21 = tpu.matmul %get3A_16, %get3A_19, %dot_general3A_20 {dimension_numbers = #tpu.dot_dimension_numbers<[1], [0], [0], [1], [0, 0, 1, 1], [], []>, transpose_lhs_hint = false} : vector<2048x16xf32>, vector<16x64xf32>, vector<2048x64xf32> -> vector<2048x64xf32>
    %add3A_22 = arith.addf %add3A, %dot_general3A_21 : vector<2048x64xf32>
    %get3A_23 = arith.constant 0 : index
    %get3A_24 = arith.constant 0 : index
    %get3A_25 = vector.load %arg7[%get3A_23, %get3A_24] : memref<1x64xf32, #tpu.memory_space<vmem>>, vector<1x64xf32>
    %add3A_26 = vector.broadcast %get3A_25 : vector<1x64xf32> to vector<2048x64xf32>
    %add3A_27 = arith.addf %add3A_22, %add3A_26 : vector<2048x64xf32>
    %max3A = arith.constant 0.000000e+00 : f32
    %max3A_28 = vector.broadcast %max3A : f32 to vector<2048x64xf32>
    %max3A_29 = arith.maximumf %add3A_27, %max3A_28 : vector<2048x64xf32>
    %get3A_30 = arith.constant 0 : index
    %get3A_31 = arith.constant 0 : index
    %get3A_32 = vector.load %arg8[%get3A_30, %get3A_31] : memref<64x32xf32, #tpu.memory_space<vmem>>, vector<64x32xf32>
    %dot_general3A_33 = arith.constant dense<0.000000e+00> : vector<2048x32xf32>
    %dot_general3A_34 = tpu.matmul %max3A_29, %get3A_32, %dot_general3A_33 {dimension_numbers = #tpu.dot_dimension_numbers<[1], [0], [0], [1], [0, 0, 1, 1], [], []>, transpose_lhs_hint = false} : vector<2048x64xf32>, vector<64x32xf32>, vector<2048x32xf32> -> vector<2048x32xf32>
    %get3A_35 = arith.constant 0 : index
    %get3A_36 = arith.constant 0 : index
    %get3A_37 = vector.load %arg9[%get3A_35, %get3A_36] : memref<1x32xf32, #tpu.memory_space<vmem>>, vector<1x32xf32>
    %add3A_38 = vector.broadcast %get3A_37 : vector<1x32xf32> to vector<2048x32xf32>
    %add3A_39 = arith.addf %dot_general3A_34, %add3A_38 : vector<2048x32xf32>
    %max3A_40 = arith.constant 0.000000e+00 : f32
    %max3A_41 = vector.broadcast %max3A_40 : f32 to vector<2048x32xf32>
    %max3A_42 = arith.maximumf %add3A_39, %max3A_41 : vector<2048x32xf32>
    %get3A_43 = arith.constant 0 : index
    %get3A_44 = arith.constant 0 : index
    %get3A_45 = vector.load %arg10[%get3A_43, %get3A_44] : memref<1x32xf32, #tpu.memory_space<vmem>>, vector<1x32xf32>
    %mul3A = vector.broadcast %get3A_45 : vector<1x32xf32> to vector<2048x32xf32>
    %mul3A_46 = arith.mulf %max3A_42, %mul3A : vector<2048x32xf32>
    %reduce_sum3A = arith.constant dense<0.000000e+00> : vector<2048xf32>
    %reduce_sum3A_47 = vector.multi_reduction <add>, %mul3A_46, %reduce_sum3A [1] : vector<2048x32xf32> to vector<2048xf32>
    %get3A_48 = arith.constant 0 : index
    %get3A_49 = arith.constant 0 : index
    %get3A_50 = memref.load %arg11[%get3A_48, %get3A_49] : memref<1x1xf32, #tpu.memory_space<smem>>
    %add3A_51 = vector.broadcast %get3A_50 : f32 to vector<2048xf32>
    %add3A_52 = arith.addf %reduce_sum3A_47, %add3A_51 : vector<2048xf32>
    %logistic3A = arith.negf %add3A_52 : vector<2048xf32>
    %logistic3A_53 = math.exp %logistic3A : vector<2048xf32>
    %logistic3A_54 = arith.constant 1.000000e+00 : f32
    %logistic3A_55 = vector.broadcast %logistic3A_54 : f32 to vector<2048xf32>
    %logistic3A_56 = arith.addf %logistic3A_55, %logistic3A_53 : vector<2048xf32>
    %logistic3A_57 = arith.divf %logistic3A_55, %logistic3A_56 : vector<2048xf32>
    %swap3A = arith.constant 0 : index
    %swap3A_58 = vector.load %arg12[%swap3A] : memref<2048xf32, #tpu.memory_space<vmem>>, vector<2048xf32>
    tpu.vector_store %arg12[%swap3A], %logistic3A_57 {strides = array<i32>} : memref<2048xf32, #tpu.memory_space<vmem>>, vector<2048xf32>,
    return
  }
  func.func @transform_0(%arg0: i32) -> (i32, i32) {
    %c0_i32 = arith.constant 0 : i32
    %c0_i32_0 = arith.constant 0 : i32
    return %arg0, %c0_i32 : i32, i32
  }
  func.func @transform_1(%arg0: i32) -> (i32, i32) {
    %c0_i32 = arith.constant 0 : i32
    %c0_i32_0 = arith.constant 0 : i32
    return %arg0, %c0_i32 : i32, i32
  }
  func.func @transform_2(%arg0: i32) -> (i32, i32) {
    %c0_i32 = arith.constant 0 : i32
    %c0_i32_0 = arith.constant 0 : i32
    return %arg0, %c0_i32 : i32, i32
  }
  func.func @transform_3(%arg0: i32) -> (i32, i32) {
    %c0_i32 = arith.constant 0 : i32
    %c0_i32_0 = arith.constant 0 : i32
    %c0_i32_1 = arith.constant 0 : i32
    return %c0_i32, %c0_i32_0 : i32, i32
  }
  func.func @transform_4(%arg0: i32) -> (i32, i32) {
    %c0_i32 = arith.constant 0 : i32
    %c0_i32_0 = arith.constant 0 : i32
    %c0_i32_1 = arith.constant 0 : i32
    return %c0_i32, %c0_i32_0 : i32, i32
  }
  func.func @transform_5(%arg0: i32) -> (i32, i32) {
    %c0_i32 = arith.constant 0 : i32
    %c0_i32_0 = arith.constant 0 : i32
    %c0_i32_1 = arith.constant 0 : i32
    return %c0_i32, %c0_i32_0 : i32, i32
  }
  func.func @transform_6(%arg0: i32) -> (i32, i32) {
    %c0_i32 = arith.constant 0 : i32
    %c0_i32_0 = arith.constant 0 : i32
    %c0_i32_1 = arith.constant 0 : i32
    return %c0_i32, %c0_i32_0 : i32, i32
  }
  func.func @transform_7(%arg0: i32) -> (i32, i32) {
    %c0_i32 = arith.constant 0 : i32
    %c0_i32_0 = arith.constant 0 : i32
    %c0_i32_1 = arith.constant 0 : i32
    return %c0_i32, %c0_i32_0 : i32, i32
  }
  func.func @transform_8(%arg0: i32) -> (i32, i32) {
    %c0_i32 = arith.constant 0 : i32
    %c0_i32_0 = arith.constant 0 : i32
    %c0_i32_1 = arith.constant 0 : i32
    return %c0_i32, %c0_i32_0 : i32, i32
  }
  func.func @transform_9(%arg0: i32) -> (i32, i32) {
    %c0_i32 = arith.constant 0 : i32
    %c0_i32_0 = arith.constant 0 : i32
    %c0_i32_1 = arith.constant 0 : i32
    return %c0_i32, %c0_i32_0 : i32, i32
  }
  func.func @transform_10(%arg0: i32) -> (i32, i32) {
    %c0_i32 = arith.constant 0 : i32
    %c0_i32_0 = arith.constant 0 : i32
    %c0_i32_1 = arith.constant 0 : i32
    return %c0_i32, %c0_i32_0 : i32, i32
  }
  func.func @transform_11(%arg0: i32) -> i32 {
    %c0_i32 = arith.constant 0 : i32
    return %arg0 : i32
  }
}

</mosaic_0001>

<sc_bundles>
// kernel: kernel.4.cloned.1.call-start
scs
__scs_entry_jumppad:
0x0: {  	(pc) =	sbr.rel $0x88, $3  }
0x1: {  	(tag) =	ssettag $0x0;
	lr =	simm.s32 $0x1  }
0x2: {  	[smem:$0x3F95] =	sst lr;
	_ =	strace $0xD0000000  }
0x3: {  	_ = 	snop  }
0x4: {  	_ = 	snop  }
0x5: {  	_ = 	snop  }
0x6: {  	_ = 	snop  }
0x7: {  	_ = 	snop  }
__scs_overlays_trampoline_lowered:
0x8: {  	[smem:$0x3FA4] =	sst s0  }
0x9: {  	[smem:$0x3FA5] =	sst s1  }
0xa: {  	[smem:$0x3FA6] =	sst s2  }
0xb: {  	[smem:$0x3FA7] =	sst s3  }
0xc: {  	[smem:$0x3FA8] =	sst s4  }
0xd: {  	[smem:$0x3FA9] =	sst s5  }
0xe: {  	[smem:$0x3FAA] =	sst s6  }
0xf: {  	[smem:$0x3FAB] =	sst s7  }
0x10: {  	[smem:$0x3FAC] =	sst s8  }
0x11: {  	[smem:$0x3FAD] =	sst s9;
	s0 =	simm.s32 @!p0 $0x0  }
0x12: {  	s1 =	sld [smem:$0x3F93];
	s0 =	simm.s32 @p0 $0x1  }
0x13: {  	[smem:$0x3FAE] =	sst s0;
	s0 =	simm.s32 @!p1 $0x0  }
0x14: {  	s2 =	sld [smem:$0x3F92];
	s0 =	simm.s32 @p1 $0x1  }
0x15: {  	[smem:$0x3FAF] =	sst s0;
	s0 =	simm.s32 @!p2 $0x0  }
0x16: {  	s3 =	sld [smem:$0x3FDB];
	s0 =	simm.s32 @p2 $0x1  }
0x17: {  	s4 =	simm.s32 $0x1BF5;
	[smem:$0x3FB1] =	sst s0  }
0x18: {  	s0 =	sld [smem:$0x3F94];
	_ =	swait.ge [sflag:s4], $0x0  }
0x19: {  	s7 =	sld [smem:$0x3F95]  }
0x1a: {  	s8 =	sadd.s32 $0xFFFFE003, lr  }
0x1b: {  	s9 =	sadd.s32 $0xFFFFFEF7, lr;
	s5 =	simm.s32 $0xFFFFFFFF;
	p2 =	slt.u32 s8, $0xFFFFF086  }
0x1c: {  	p1 =	slt.u32 s9, $0xF7A;
	s5 =	simm.s32 @!p2 $0x0  }
0x1d: {  	s5 =	simm.s32 @p1 $0x1;
	p0 =	seq.s32 s7, s2  }
0x1e: {  	s7 =	smul.u32 @!p0 $0xF7A, s2;
	p2 =	seq.s32 @!p0 s5, $0x0  }
0x1f: {  	s9 =	smul.u32 $0xF7A, s1;
	s8 =	simm.s32 @!p0 $0x1BF5;
	p2 =	por !p2, p0  }
0x20: {  	[sflag:s8] =	ssyncset.s32 @!p0 $0xFFFFF086;
	s6 =	sadd.s32 @!p0 s3, s7;
	s7 =	simm.s32 @!p0 $0x108  }
0x21: {  	s3 =	sadd.s32 s3, s9;
	s6 =	sadd.s32 @!p0 $0x88, s6;
	s7 =	simm.s32 @p2 $0x1082  }
0x22: {  	[simem:s7], [sflag:s8] =	dma.local @!p0 [hbm:s6], $0xF7A  }
0x23: {  	s9 =	sor.u32 $0xD0000000, s2;
	s6 =	simm.s32 $0x108;
	_ =	swait.ge @!p0 [sflag:s8], $0x0  }
0x24: {  	s3 =	sadd.s32 $0x88, s3;
	s6 =	simm.s32 @!p1 $0x1082;
	[sflag:s4] =	ssyncset.s32 $0xFFFFF086  }
0x25: {  	[simem:s6], [sflag:s4] =	dma.local [hbm:s3], $0xF7A  }
0x26: {  	[smem:$0x3F95] =	sst s1;
	(tag) =	ssettag s2;
	_ =	strace s9  }
0x27: {  	s1 =	sld [smem:$0x3FA5]  }
0x28: {  	s2 =	sld [smem:$0x3FA6]  }
0x29: {  	s4 =	sld [smem:$0x3FA8]  }
0x2a: {  	p0 =	seq.s32 s5, $0x0;
	s5 =	sld [smem:$0x3FA9]  }
0x2b: {  	s6 =	sld [smem:$0x3FAA]  }
0x2c: {  	s7 =	sld [smem:$0x3FAB]  }
0x2d: {  	s3 =	simm.s32 $0x108;
	s8 =	sld [smem:$0x3FAC]  }
0x2e: {  	s3 =	simm.s32 @!p0 $0x1082;
	s9 =	sld [smem:$0x3FAD]  }
0x2f: {  	lr =	sadd.s32 s0, s3;
	s0 =	sld [smem:$0x3FA4]  }
0x30: {  	s3 =	sld [smem:$0x3FA7]  }
0x31: {  	[smem:$0x3FB0] =	sst s10  }
0x32: {  	s10 =	sld [smem:$0x3FAE];
	_ =	sdelay $0x3  }
0x33: {  	p0 =	seq.s32 s10, $0x1;
	s10 =	sld [smem:$0x3FB0];
	_ =	sdelay $0x3  }
0x34: {  	[smem:$0x3FB0] =	sst s10  }
0x35: {  	s10 =	sld [smem:$0x3FAF];
	_ =	sdelay $0x3  }
0x36: {  	p1 =	seq.s32 s10, $0x1;
	s10 =	sld [smem:$0x3FB0];
	_ =	sdelay $0x3  }
0x37: {  	[smem:$0x3FB0] =	sst s10  }
0x38: {  	s10 =	sld [smem:$0x3FB1]  }
0x39: {  	_ = 	snop;
	(pc) =	sbr.ind lr, $3  }
0x3a: {  	_ = 	snop  }
0x3b: {  	_ = 	snop  }
0x3c: {  	p2 =	seq.s32 s10, $0x1;
	s10 =	sld [smem:$0x3FB0]  }
0x3d: {  	_ =	shalt  }
0x3e: {  	_ =	shalt  }
0x3f: {  	_ =	shalt  }
0x40: {  	_ =	shalt  }
0x41: {  	_ =	shalt  }
0x42: {  	_ =	shalt  }
0x43: {  	_ =	shalt  }
0x44: {  	_ =	shalt  }
0x45: {  	_ =	shalt  }
0x46: {  	_ =	shalt  }
0x47: {  	_ =	shalt  }
0x48: {  	_ =	shalt  }
0x49: {  	_ =	shalt  }
0x4a: {  	_ =	shalt  }
0x4b: {  	_ =	shalt  }
0x4c: {  	_ =	shalt  }
0x4d: {  	_ =	shalt  }
0x4e: {  	_ =	shalt  }
0x4f: {  	_ =	shalt  }
0x50: {  	_ =	shalt  }
0x51: {  	_ =	shalt  }
0x52: {  	_ =	shalt  }
0x53: {  	_ =	shalt  }
0x54: {  	_ =	shalt  }
0x55: {  	_ =	shalt  }
0x56: {  	_ =	shalt  }
0x57: {  	_ =	shalt  }
0x58: {  	_ =	shalt  }
0x59: {  	_ =	shalt  }
0x5a: {  	_ =	shalt  }
0x5b: {  	_ =	shalt  }
0x5c: {  	_ =	shalt  }
0x5d: {  	_ =	shalt  }
0x5e: {  	_ =	shalt  }
0x5f: {  	_ =	shalt  }
0x60: {  	_ =	shalt  }
0x61: {  	_ =	shalt  }
0x62: {  	_ =	shalt  }
0x63: {  	_ =	shalt  }
0x64: {  	_ =	shalt  }
0x65: {  	_ =	shalt  }
0x66: {  	_ =	shalt  }
0x67: {  	_ =	shalt  }
0x68: {  	_ =	shalt  }
0x69: {  	_ =	shalt  }
0x6a: {  	_ =	shalt  }
0x6b: {  	_ =	shalt  }
0x6c: {  	_ =	shalt  }
0x6d: {  	_ =	shalt  }
0x6e: {  	_ =	shalt  }
0x6f: {  	_ =	shalt  }
0x70: {  	_ =	shalt  }
0x71: {  	_ =	shalt  }
0x72: {  	_ =	shalt  }
0x73: {  	_ =	shalt  }
0x74: {  	_ =	shalt  }
0x75: {  	_ =	shalt  }
0x76: {  	_ =	shalt  }
0x77: {  	_ =	shalt  }
0x78: {  	_ =	shalt  }
0x79: {  	_ =	shalt  }
0x7a: {  	_ =	shalt  }
0x7b: {  	_ =	shalt  }
0x7c: {  	_ =	shalt  }
0x7d: {  	_ =	shalt  }
0x7e: {  	_ =	shalt  }
0x7f: {  	_ =	shalt  }
0x80: {  	_ =	shalt  }
0x81: {  	_ =	shalt  }
0x82: {  	_ =	shalt  }
0x83: {  	_ =	shalt  }
0x84: {  	_ =	shalt  }
0x85: {  	_ =	shalt  }
0x86: {  	_ =	shalt  }
0x87: {  	_ =	shalt  }
.Lfunc_end0:
.L_simem_size_0:
called_computation_lowered:
.L_overlay_start_0:
0x88: {  	s2 =	sld [smem:$0x3FD9]  }
0x89: {  	s3 =	sld [smem:$0x3FFE];
	_ =	sdelay $0x1  }
0x8a: {  	s1 =	srdreg.scid  }
0x8b: {  	s0 =	sand.u32 $0x1, s1  }
0x8c: {  	s17 =	sshll.u32 s0, $0xA;
	s2 =	sadd.s32 s3, s2  }
0x8d: {  	s2 =	sadd.s32 s2, s17  }
0x8e: {  	[smem:$0x3FBC] =	sst s2  }
0x8f: {  	_ = 	snop  }
0x90: {  	s2 =	sld [smem:$0x3FC9]  }
0x91: {  	s18 =	sld [smem:$0x3FC8]  }
0x92: {  	s4 =	sld [smem:$0x3FC7]  }
0x93: {  	s5 =	sld [smem:$0x3FD0];
	(tm) =	ssettm $0x1  }
0x94: {  	s6 =	sld [smem:$0x3FFB];
	_ =	sdelay $0x3  }
0x95: {  	_ =	strace s6  }
0x96: {  	s6 =	sld [smem:$0x3FFC];
	_ =	sdelay $0x3  }
0x97: {  	_ =	strace s6  }
0x98: {  	s6 =	sld [smem:$0x3FFD];
	_ =	sdelay $0x3  }
0x99: {  	_ =	strace s6  }
0x9a: {  	_ =	strace $0x8FFFFFFF  }
0x9b: {  	s19 =	sld [smem:$0x3FDB];
	_ =	sdelay $0x1  }
0x9c: {  	s7 =	simm.s32 $_scs_section_size  }
0x9d: {  	s8 =	simm.s32 $_size__tile_overlayer_lowered;
	s9 =	simm.s32 $_tile_overlayer_lowered  }
0x9e: {  	s22 =	simm.s32 $0x1BFF;
	s21 =	sshll.u32 s9, $0x1;
	s6 =	sadd.s32 s7, s19  }
0x9f: {  	s10 =	simm.s32 $0x0;
	s20 =	sshll.u32 s8, $0x1;
	s8 =	sadd.s32 s21, s6  }
0xa0: {  	[timem:s10], [sflag:s22] =	dma.local [hbm:s8], s20  }
0xa1: {  	_ =	swait.ge [sflag:s22], s20  }
0xa2: {  	s7 =	ssub.s32 $0x0, s20;
	[sflag:s22] =	ssyncset.done $0x0  }
0xa3: {  	[sflag:s22] =	ssyncadd.s32 s7;
	_ =	sdelay $0x1  }
0xa4: {  	s23 =	simm.s32 $0x1B8B  }
0xa5: {  	_ =	swait.ge [sflag:s23], $0x1  }
0xa6: {  	[sflag:s23] =	ssyncset.done $0x0  }
0xa7: {  	s25 =	simm.s32 $0x1B8E;
	s24 =	sld [smem:$0x3FFE];
	[sflag:s23] =	ssyncadd.s32 $0xFFFFFFFF  }
0xa8: {  	s26 =	simm.s32 $execute0_lowered;
	[smem:$0x3FD2] =	sst s25  }
0xa9: {  	s8 =	sshll.u32 s26, $0x1;
	_ =	strace $0x80000046;
	[dreg:$0x1] =	wrdreg $0xFFFFFFFF  }
0xaa: {  	s28 =	simm.s32 $_size_execute0_lowered;
	s6 =	sadd.s32 s6, s8;
	[dreg:$0x0] =	wrdreg $0x0  }
0xab: {  	s8 =	sshll.u32 s28, $0x1;
	[dreg:$0x2] =	wrdreg s6  }
0xac: {  	[dreg:$0x3] =	wrdreg s8  }
0xad: {  	[dreg:$0x4] =	wrdreg $0xC0  }
0xae: {  	_ =	task [dreg:s10], $0x5FFFF  }
0xaf: {  	[dreg:$0x1] =	wrdreg $0xFFFFFFFF  }
0xb0: {  	[dreg:$0x0] =	wrdreg $0x60  }
0xb1: {  	[dreg:$0x2] =	wrdreg s24  }
0xb2: {  	[dreg:$0x3] =	wrdreg s5  }
0xb3: {  	[dreg:$0x4] =	wrdreg s2  }
0xb4: {  	[dreg:$0x5] =	wrdreg s18  }
0xb5: {  	[dreg:$0x6] =	wrdreg s4  }
0xb6: {  	[dreg:$0x7] =	wrdreg $0x9  }
0xb7: {  	_ =	task.clear_ibuf [dreg:s10], $0x8FFFF;
	_ =	strace $0x90000046  }
0xb8: {  	s29 =	simm.s32 $0x9;
	_ =	strace $0x80000048  }
0xb9: {  	_ =	swait.ge [sflag:s29], $0x1  }
0xba: {  	[sflag:s29] =	ssyncadd.s32 $0xFFFFFFFF  }
0xbb: {  	_ =	strace $0x90000048  }
0xbc: {  	_ =	sfence  }
0xbd: {  	s30 =	sld [smem:$0x0];
	_ =	sdelay $0x2  }
0xbe: {  	s31 =	sshll.u32 s1, $0xD;
	s1 =	sshrl.u32 s1, $0x2  }
0xbf: {  	s3 =	sand.u32 $0x4000, s31;
	s1 =	sadd.s32 s1, s30  }
0xc0: {  	s0 =	sor.u32 s3, s0;
	s1 =	sshll.u32 s1, $0x11  }
0xc1: {  	s0 =	sor.u32 s1, s0  }
0xc2: {  	s0 =	sadd.s32 $0x8F2B, s0  }
0xc3: {  	[sflag:s0] =	ssyncadd.remote.s32 $0x1  }
0xc4: {  	_ =	sfence.sel $0xFFFF  }
0xc5: {  	[dreg:$0x0] =	wrdreg $0xFFFFFFFF;
	(pc) =	sbr.abs _section_cstart, $3  }
0xc6: {  	[dreg:$0x1] =	wrdreg $0xFFFFFFFF  }
0xc7: {  	_ =	task.clear_ibuf [dreg:s10], $0x2FFFF;
	_ =	strace $0x9FFFFFFF  }
0xc8: {  	(tm) =	ssettm $0x7FFFFFFF  }
0xc9: {  	_ =	shalt  }
tec
execute0_lowered:
.L_overlay_start_1:
0x0: {  	(tag) =	ssettag $0x1  }
0x1: {  	s0 =	rddreg [dreg:$0x0]  }
0x2: {  	s4 =	rddreg [dreg:$0x1]  }
0x3: {  	s1 =	rddreg [dreg:$0x2]  }
0x4: {  	s2 =	srdreg.scid;
	s3 =	rddreg [dreg:$0x3]  }
0x5: {  	s7 =	stileid.u32;
	s6 =	rddreg [dreg:$0x4];
	s13 =	simm.s32 $0x200  }
0x6: {  	s12 =	simm.s32 $0x400;
	s11 =	simm.s32 $0x80;
	s14 =	simm.s32 $0xE00  }
0x7: {  	s15 =	simm.s32 $0x100;
	s16 =	simm.s32 $0x1600;
	s17 =	simm.s32 $0x180  }
0x8: {  	s18 =	simm.s32 $0x1E00;
	p0 =	por $0x0, $0x0;
	s28 =	simm.s32 $0x500  }
0x9: {  	s29 =	simm.s32 $0x5600;
	s30 =	simm.s32 $0x580;
	s31 =	simm.s32 $0x5E00  }
0xa: {  	s5 =	sand.u32 $0x1, s2;
	s7 =	sshll.u32 s7, $0xA;
	s2 =	simm.s32 $0x0  }
0xb: {  	s9 =	sadd.s32 $0xF44000, s0;
	s10 =	sadd.s32 $0x188600, s0;
	s8 =	sshll.u32 s5, $0x9  }
0xc: {  	[smem:$0x7FF] =	sst s2;
	s5 =	ssub.s32 $0x2, s5;
	s7 =	sor.u32 s8, s7  }
0xd: {  	_ =	strace $0x80000047;
	s24 =	sshrl.u32 s5, $0x1;
	s8 =	sshrl.u32 s7, $0x3  }
0xe: {  	s7 =	sshll.u32 s7, $0x1;
	s26 =	ssub.s32 s5, s24;
	s5 =	simm.s32 $0x600  }
0xf: {  	s24 =	simm.s32 $0x3E00;
	s1 =	sadd.s32 s1, s8;
	s19 =	sadd.s32 s3, s8  }
0x10: {  	s20 =	sadd.s32 s7, s0;
	s21 =	sadd.s32 s6, s8;
	s0 =	smax.u32 s26, $0x1  }
0x11: {  	s3 =	simm.s32 $0x2;
	s6 =	simm.s32 $0x2600;
	[dreg:$0x6] =	wrdreg s1  }
0x12: {  	s7 =	simm.s32 $0x4600;
	s26 =	simm.s32 $0x4E00;
	[dreg:$0x7] =	wrdreg s19  }
0x13: {  	s8 =	simm.s32 $0x1;
	[dreg:$0x8] =	wrdreg s21;
	p1 =	sne.s32 s0, $0x1  }
.Ltmp0:
0x14: {  	s22 =	sadd.s32 $0x11C00, s20;
	s23 =	sadd.s32 $0x9C00, s20;
	(pc) =	sbr.rel @!p1 .LBB2_3-.Ltmp0, $4  }
0x15: {  	s25 =	sadd.s32 $0x1C00, s20;
	s19 =	simm.s32 $0x280;
	[dreg:$0x9] =	wrdreg s22  }
0x16: {  	s20 =	simm.s32 $0x2E00;
	s21 =	simm.s32 $0x300;
	[dreg:$0xa] =	wrdreg s23  }
0x17: {  	s1 =	sadd.s32 $0xFFFFFFFF, s0;
	[dreg:$0xb] =	wrdreg s25;
	s22 =	simm.s32 $0x3600  }
0x18: {  	s23 =	simm.s32 $0x380;
	s25 =	simm.s32 $0x480;
	s0 =	rddreg [dreg:$0x6]  }
0x19: {  	[tilespmem:s2], [sflag:$0x2] =	stream.linear.gather [hbm4b:s0+s2], $0x200, $0x38;
	[tilespmem:$0x6600] =	vst v63  }
0x1a: {  	_ =	swait.ge [sflag:s3], $0x200  }
0x1b: {  	[sflag:s3] =	ssyncset.done $0x0  }
0x1c: {  	s0 =	rddreg [dreg:$0x7];
	[sflag:s3] =	ssyncadd.s32 $0xFFFFFE00  }
0x1d: {  	[tilespmem:s13], [sflag:$0x2] =	stream.linear.gather [hbm4b:s0+s2], $0x200, $0x38;
	[tilespmem:$0x6600] =	vst v63  }
0x1e: {  	_ =	swait.ge [sflag:s3], $0x200  }
0x1f: {  	[sflag:s3] =	ssyncset.done $0x0  }
0x20: {  	s0 =	rddreg [dreg:$0x8];
	[sflag:s3] =	ssyncadd.s32 $0xFFFFFE00  }
0x21: {  	[tilespmem:s12], [sflag:$0x2] =	stream.linear.gather [hbm4b:s0+s2], $0x200, $0x38;
	[tilespmem:$0x6600] =	vst v63  }
0x22: {  	_ =	swait.ge [sflag:s3], $0x200  }
0x23: {  	[sflag:s3] =	ssyncset.done $0x0  }
0x24: {  	[sflag:s3] =	ssyncadd.s32 $0xFFFFFE00  }
0x25: {  	[tilespmem:s5], [sflag:$0x1] =	stream.indirect.gather [hbm4b:s9+s11], $0x10, s2, s11, $0xb8;
	[tilespmem:$0x6600] =	vst v63  }
0x26: {  	_ = 	snop  }
0x27: {  	[tilespmem:s14], [sflag:$0x1] =	stream.indirect.gather [hbm4b:s9+s11], $0x10, s11, s11, $0xb8;
	[tilespmem:$0x6600] =	vst v63  }
0x28: {  	_ = 	snop  }
0x29: {  	[tilespmem:s16], [sflag:$0x1] =	stream.indirect.gather [hbm4b:s9+s11], $0x10, s15, s11, $0xb8;
	[tilespmem:$0x6600] =	vst v63  }
0x2a: {  	_ = 	snop  }
0x2b: {  	[tilespmem:s18], [sflag:$0x1] =	stream.indirect.gather [hbm4b:s9+s11], $0x10, s17, s11, $0xb8;
	[tilespmem:$0x6600] =	vst v63  }
0x2c: {  	_ = 	snop  }
0x2d: {  	[tilespmem:s6], [sflag:$0x1] =	stream.indirect.gather [hbm4b:s10+s11], $0x10, s13, s11, $0xb8;
	[tilespmem:$0x6600] =	vst v63  }
0x2e: {  	_ = 	snop  }
0x2f: {  	[tilespmem:s20], [sflag:$0x1] =	stream.indirect.gather [hbm4b:s10+s11], $0x10, s19, s11, $0xb8;
	[tilespmem:$0x6600] =	vst v63  }
0x30: {  	_ = 	snop  }
0x31: {  	[tilespmem:s22], [sflag:$0x1] =	stream.indirect.gather [hbm4b:s10+s11], $0x10, s21, s11, $0xb8;
	[tilespmem:$0x6600] =	vst v63  }
0x32: {  	_ = 	snop  }
0x33: {  	[tilespmem:s24], [sflag:$0x1] =	stream.indirect.gather [hbm4b:s10+s11], $0x10, s23, s11, $0xb8;
	[tilespmem:$0x6600] =	vst v63  }
0x34: {  	_ = 	snop  }
0x35: {  	[tilespmem:s7], [sflag:$0x1] =	stream.indirect.gather [hbm4b:s4+s11], $0x10, s12, s11, $0xb8;
	[tilespmem:$0x6600] =	vst v63  }
0x36: {  	_ = 	snop  }
0x37: {  	[tilespmem:s26], [sflag:$0x1] =	stream.indirect.gather [hbm4b:s4+s11], $0x10, s25, s11, $0xb8;
	[tilespmem:$0x6600] =	vst v63  }
0x38: {  	_ = 	snop  }
0x39: {  	[tilespmem:s29], [sflag:$0x1] =	stream.indirect.gather [hbm4b:s4+s11], $0x10, s28, s11, $0xb8;
	[tilespmem:$0x6600] =	vst v63  }
0x3a: {  	_ = 	snop  }
0x3b: {  	[tilespmem:s31], [sflag:$0x1] =	stream.indirect.gather [hbm4b:s4+s11], $0x10, s30, s11, $0xb8;
	[tilespmem:$0x6600] =	vst v63  }
0x3c: {  	_ =	swait.ge [sflag:s8], $0x800  }
0x3d: {  	[sflag:s8] =	ssyncset.done $0x0  }
0x3e: {  	[sflag:s8] =	ssyncadd.s32 $0xFFFFF800  }
0x3f: {  	_ =	swait.ge [sflag:s8], $0x800  }
0x40: {  	[sflag:s8] =	ssyncset.done $0x0  }
0x41: {  	[sflag:s8] =	ssyncadd.s32 $0xFFFFF800  }
0x42: {  	_ =	swait.ge [sflag:s8], $0x800  }
0x43: {  	[sflag:s8] =	ssyncset.done $0x0  }
0x44: {  	[sflag:s8] =	ssyncadd.s32 $0xFFFFF800  }
0x45: {  	_ =	swait.ge [sflag:s8], $0x800  }
0x46: {  	[sflag:s8] =	ssyncset.done $0x0  }
0x47: {  	[sflag:s8] =	ssyncadd.s32 $0xFFFFF800  }
0x48: {  	_ =	swait.ge [sflag:s8], $0x800  }
0x49: {  	[sflag:s8] =	ssyncset.done $0x0  }
0x4a: {  	[sflag:s8] =	ssyncadd.s32 $0xFFFFF800  }
0x4b: {  	_ =	swait.ge [sflag:s8], $0x800  }
0x4c: {  	[sflag:s8] =	ssyncset.done $0x0  }
0x4d: {  	[sflag:s8] =	ssyncadd.s32 $0xFFFFF800  }
0x4e: {  	_ =	swait.ge [sflag:s8], $0x800  }
0x4f: {  	[sflag:s8] =	ssyncset.done $0x0  }
0x50: {  	[sflag:s8] =	ssyncadd.s32 $0xFFFFF800  }
0x51: {  	_ =	swait.ge [sflag:s8], $0x800  }
0x52: {  	[sflag:s8] =	ssyncset.done $0x0  }
0x53: {  	[sflag:s8] =	ssyncadd.s32 $0xFFFFF800  }
0x54: {  	_ =	swait.ge [sflag:s8], $0x800  }
0x55: {  	[sflag:s8] =	ssyncset.done $0x0  }
0x56: {  	[sflag:s8] =	ssyncadd.s32 $0xFFFFF800  }
0x57: {  	_ =	swait.ge [sflag:s8], $0x800  }
0x58: {  	[sflag:s8] =	ssyncset.done $0x0  }
0x59: {  	[sflag:s8] =	ssyncadd.s32 $0xFFFFF800  }
0x5a: {  	_ =	swait.ge [sflag:s8], $0x800  }
0x5b: {  	[sflag:s8] =	ssyncset.done $0x0  }
0x5c: {  	[sflag:s8] =	ssyncadd.s32 $0xFFFFF800  }
0x5d: {  	_ =	swait.ge [sflag:s8], $0x800  }
0x5e: {  	[sflag:s8] =	ssyncset.done $0x0  }
0x5f: {  	s0 =	rddreg [dreg:$0x9];
	[sflag:s8] =	ssyncadd.s32 $0xFFFFF800  }
0x60: {  	[hbm4b:s0+s2] =	stream.linear.scatter [tilespmem:s5], [sflag:$0x2], $0x2000, $0x38;
	[tilespmem:$0x6600] =	vst v63  }
0x61: {  	_ =	swait.ge [sflag:s3], $0x2000  }
0x62: {  	[sflag:s3] =	ssyncset.done $0x0  }
0x63: {  	s0 =	rddreg [dreg:$0xa];
	[sflag:s3] =	ssyncadd.s32 $0xFFFFE000  }
0x64: {  	[hbm4b:s0+s2] =	stream.linear.scatter [tilespmem:s6], [sflag:$0x2], $0x2000, $0x38;
	[tilespmem:$0x6600] =	vst v63  }
0x65: {  	p1 =	sne.s32 s1, $0x1;
	_ =	swait.ge [sflag:s3], $0x2000  }
.Ltmp1:
0x66: {  	[sflag:s3] =	ssyncset.done $0x0;
	(pc) =	sbr.rel @!p1 .LBB2_3-.Ltmp1, $4  }
0x67: {  	s0 =	rddreg [dreg:$0xb];
	[sflag:s3] =	ssyncadd.s32 $0xFFFFE000  }
0x68: {  	[hbm4b:s0+s2] =	stream.linear.scatter [tilespmem:s7], [sflag:$0x2], $0x2000, $0x38;
	[tilespmem:$0x6600] =	vst v63  }
0x69: {  	s1 =	sadd.s32 $0xFFFFFFFF, s1;
	_ =	swait.ge [sflag:s3], $0x2000  }
0x6a: {  	p0 =	por $0x1, $0x1;
	s0 =	rddreg [dreg:$0x6];
	[sflag:s3] =	ssyncset.done $0x0  }
.LBB2_2:
0x6b: {  	[sflag:s3] =	ssyncadd.s32 $0xFFFFE000  }
0x6c: {  	[tilespmem:s2], [sflag:$0x2] =	stream.linear.gather [hbm4b:s0+s2], $0x200, $0x38;
	[tilespmem:$0x6600] =	vst v63  }
0x6d: {  	_ =	swait.ge [sflag:s3], $0x200  }
0x6e: {  	[sflag:s3] =	ssyncset.done $0x0  }
0x6f: {  	s0 =	rddreg [dreg:$0x7];
	[sflag:s3] =	ssyncadd.s32 $0xFFFFFE00  }
0x70: {  	[tilespmem:s13], [sflag:$0x2] =	stream.linear.gather [hbm4b:s0+s2], $0x200, $0x38;
	[tilespmem:$0x6600] =	vst v63  }
0x71: {  	_ =	swait.ge [sflag:s3], $0x200  }
0x72: {  	[sflag:s3] =	ssyncset.done $0x0  }
0x73: {  	s0 =	rddreg [dreg:$0x8];
	[sflag:s3] =	ssyncadd.s32 $0xFFFFFE00  }
0x74: {  	[tilespmem:s12], [sflag:$0x2] =	stream.linear.gather [hbm4b:s0+s2], $0x200, $0x38;
	[tilespmem:$0x6600] =	vst v63  }
0x75: {  	_ =	swait.ge [sflag:s3], $0x200  }
0x76: {  	[sflag:s3] =	ssyncset.done $0x0  }
0x77: {  	[sflag:s3] =	ssyncadd.s32 $0xFFFFFE00  }
0x78: {  	[tilespmem:s5], [sflag:$0x1] =	stream.indirect.gather [hbm4b:s9+s11], $0x10, s2, s11, $0xb8;
	[tilespmem:$0x6600] =	vst v63  }
0x79: {  	_ = 	snop  }
0x7a: {  	[tilespmem:s14], [sflag:$0x1] =	stream.indirect.gather [hbm4b:s9+s11], $0x10, s11, s11, $0xb8;
	[tilespmem:$0x6600] =	vst v63  }
0x7b: {  	_ = 	snop  }
0x7c: {  	[tilespmem:s16], [sflag:$0x1] =	stream.indirect.gather [hbm4b:s9+s11], $0x10, s15, s11, $0xb8;
	[tilespmem:$0x6600] =	vst v63  }
0x7d: {  	_ = 	snop  }
0x7e: {  	[tilespmem:s18], [sflag:$0x1] =	stream.indirect.gather [hbm4b:s9+s11], $0x10, s17, s11, $0xb8;
	[tilespmem:$0x6600] =	vst v63  }
0x7f: {  	_ = 	snop  }
0x80: {  	[tilespmem:s6], [sflag:$0x1] =	stream.indirect.gather [hbm4b:s10+s11], $0x10, s13, s11, $0xb8;
	[tilespmem:$0x6600] =	vst v63  }
0x81: {  	_ = 	snop  }
0x82: {  	[tilespmem:s20], [sflag:$0x1] =	stream.indirect.gather [hbm4b:s10+s11], $0x10, s19, s11, $0xb8;
	[tilespmem:$0x6600] =	vst v63  }
0x83: {  	_ = 	snop  }
0x84: {  	[tilespmem:s22], [sflag:$0x1] =	stream.indirect.gather [hbm4b:s10+s11], $0x10, s21, s11, $0xb8;
	[tilespmem:$0x6600] =	vst v63  }
0x85: {  	_ = 	snop  }
0x86: {  	[tilespmem:s24], [sflag:$0x1] =	stream.indirect.gather [hbm4b:s10+s11], $0x10, s23, s11, $0xb8;
	[tilespmem:$0x6600] =	vst v63  }
0x87: {  	_ = 	snop  }
0x88: {  	[tilespmem:s7], [sflag:$0x1] =	stream.indirect.gather [hbm4b:s4+s11], $0x10, s12, s11, $0xb8;
	[tilespmem:$0x6600] =	vst v63  }
0x89: {  	_ = 	snop  }
0x8a: {  	[tilespmem:s26], [sflag:$0x1] =	stream.indirect.gather [hbm4b:s4+s11], $0x10, s25, s11, $0xb8;
	[tilespmem:$0x6600] =	vst v63  }
0x8b: {  	_ = 	snop  }
0x8c: {  	[tilespmem:s29], [sflag:$0x1] =	stream.indirect.gather [hbm4b:s4+s11], $0x10, s28, s11, $0xb8;
	[tilespmem:$0x6600] =	vst v63  }
0x8d: {  	_ = 	snop  }
0x8e: {  	[tilespmem:s31], [sflag:$0x1] =	stream.indirect.gather [hbm4b:s4+s11], $0x10, s30, s11, $0xb8;
	[tilespmem:$0x6600] =	vst v63  }
0x8f: {  	_ =	swait.ge [sflag:s8], $0x800  }
0x90: {  	[sflag:s8] =	ssyncset.done $0x0  }
0x91: {  	[sflag:s8] =	ssyncadd.s32 $0xFFFFF800  }
0x92: {  	_ =	swait.ge [sflag:s8], $0x800  }
0x93: {  	[sflag:s8] =	ssyncset.done $0x0  }
0x94: {  	[sflag:s8] =	ssyncadd.s32 $0xFFFFF800  }
0x95: {  	_ =	swait.ge [sflag:s8], $0x800  }
0x96: {  	[sflag:s8] =	ssyncset.done $0x0  }
0x97: {  	[sflag:s8] =	ssyncadd.s32 $0xFFFFF800  }
0x98: {  	_ =	swait.ge [sflag:s8], $0x800  }
0x99: {  	[sflag:s8] =	ssyncset.done $0x0  }
0x9a: {  	[sflag:s8] =	ssyncadd.s32 $0xFFFFF800  }
0x9b: {  	_ =	swait.ge [sflag:s8], $0x800  }
0x9c: {  	[sflag:s8] =	ssyncset.done $0x0  }
0x9d: {  	[sflag:s8] =	ssyncadd.s32 $0xFFFFF800  }
0x9e: {  	_ =	swait.ge [sflag:s8], $0x800  }
0x9f: {  	[sflag:s8] =	ssyncset.done $0x0  }
0xa0: {  	[sflag:s8] =	ssyncadd.s32 $0xFFFFF800  }
0xa1: {  	_ =	swait.ge [sflag:s8], $0x800  }
0xa2: {  	[sflag:s8] =	ssyncset.done $0x0  }
0xa3: {  	[sflag:s8] =	ssyncadd.s32 $0xFFFFF800  }
0xa4: {  	_ =	swait.ge [sflag:s8], $0x800  }
0xa5: {  	[sflag:s8] =	ssyncset.done $0x0  }
0xa6: {  	[sflag:s8] =	ssyncadd.s32 $0xFFFFF800  }
0xa7: {  	_ =	swait.ge [sflag:s8], $0x800  }
0xa8: {  	[sflag:s8] =	ssyncset.done $0x0  }
0xa9: {  	[sflag:s8] =	ssyncadd.s32 $0xFFFFF800  }
0xaa: {  	_ =	swait.ge [sflag:s8], $0x800  }
0xab: {  	[sflag:s8] =	ssyncset.done $0x0  }
0xac: {  	[sflag:s8] =	ssyncadd.s32 $0xFFFFF800  }
0xad: {  	_ =	swait.ge [sflag:s8], $0x800  }
0xae: {  	[sflag:s8] =	ssyncset.done $0x0  }
0xaf: {  	[sflag:s8] =	ssyncadd.s32 $0xFFFFF800  }
0xb0: {  	_ =	swait.ge [sflag:s8], $0x800  }
0xb1: {  	[sflag:s8] =	ssyncset.done $0x0  }
0xb2: {  	s0 =	rddreg [dreg:$0x9];
	[sflag:s8] =	ssyncadd.s32 $0xFFFFF800  }
0xb3: {  	[hbm4b:s0+s2] =	stream.linear.scatter [tilespmem:s5], [sflag:$0x2], $0x2000, $0x38;
	[tilespmem:$0x6600] =	vst v63  }
0xb4: {  	_ =	swait.ge [sflag:s3], $0x2000  }
0xb5: {  	[sflag:s3] =	ssyncset.done $0x0  }
0xb6: {  	s0 =	rddreg [dreg:$0xa];
	[sflag:s3] =	ssyncadd.s32 $0xFFFFE000  }
0xb7: {  	[hbm4b:s0+s2] =	stream.linear.scatter [tilespmem:s6], [sflag:$0x2], $0x2000, $0x38;
	[tilespmem:$0x6600] =	vst v63  }
0xb8: {  	p1 =	sne.s32 s1, $0x1;
	_ =	swait.ge [sflag:s3], $0x2000  }
.Ltmp2:
0xb9: {  	[sflag:s3] =	ssyncset.done $0x0;
	(pc) =	sbr.rel @p1 .LBB2_2-.Ltmp2, $4  }
0xba: {  	s0 =	rddreg [dreg:$0xb];
	[sflag:s3] =	ssyncadd.s32 $0xFFFFE000  }
0xbb: {  	[hbm4b:s0+s2] =	stream.linear.scatter [tilespmem:s7], [sflag:$0x2], $0x2000, $0x38;
	[tilespmem:$0x6600] =	vst v63  }
0xbc: {  	_ =	swait.ge [sflag:s3], $0x2000  }
0xbd: {  	s1 =	sadd.s32 $0xFFFFFFFF, s1;
	s0 =	rddreg [dreg:$0x6];
	[sflag:s3] =	ssyncset.done $0x0  }
.LBB2_3:
0xbe: {  	[sflag:s3] =	ssyncadd.s32 @p0 $0xFFFFE000  }
0xbf: {  	[tilespmem:s2], [sflag:$0x2] =	stream.linear.gather [hbm4b:s0+s2], $0x200, $0x38;
	[tilespmem:$0x6600] =	vst v63  }
0xc0: {  	_ =	swait.ge [sflag:s3], $0x200  }
0xc1: {  	[sflag:s3] =	ssyncset.done $0x0  }
0xc2: {  	s1 =	rddreg [dreg:$0x7];
	[sflag:s3] =	ssyncadd.s32 $0xFFFFFE00  }
0xc3: {  	[tilespmem:s13], [sflag:$0x2] =	stream.linear.gather [hbm4b:s1+s2], $0x200, $0x38;
	[tilespmem:$0x6600] =	vst v63  }
0xc4: {  	_ =	swait.ge [sflag:s3], $0x200  }
0xc5: {  	[sflag:s3] =	ssyncset.done $0x0  }
0xc6: {  	s1 =	rddreg [dreg:$0x8];
	[sflag:s3] =	ssyncadd.s32 $0xFFFFFE00  }
0xc7: {  	[tilespmem:s12], [sflag:$0x2] =	stream.linear.gather [hbm4b:s1+s2], $0x200, $0x38;
	[tilespmem:$0x6600] =	vst v63  }
0xc8: {  	_ =	swait.ge [sflag:s3], $0x200  }
0xc9: {  	[sflag:s3] =	ssyncset.done $0x0  }
0xca: {  	[sflag:s3] =	ssyncadd.s32 $0xFFFFFE00  }
0xcb: {  	[tilespmem:s5], [sflag:$0x1] =	stream.indirect.gather [hbm4b:s9+s11], $0x10, s2, s11, $0xb8;
	[tilespmem:$0x6600] =	vst v63  }
0xcc: {  	_ = 	snop  }
0xcd: {  	[tilespmem:s14], [sflag:$0x1] =	stream.indirect.gather [hbm4b:s9+s11], $0x10, s11, s11, $0xb8;
	[tilespmem:$0x6600] =	vst v63  }
0xce: {  	_ = 	snop  }
0xcf: {  	[tilespmem:s16], [sflag:$0x1] =	stream.indirect.gather [hbm4b:s9+s11], $0x10, s15, s11, $0xb8;
	[tilespmem:$0x6600] =	vst v63  }
0xd0: {  	_ = 	snop  }
0xd1: {  	[tilespmem:s18], [sflag:$0x1] =	stream.indirect.gather [hbm4b:s9+s11], $0x10, s17, s11, $0xb8;
	[tilespmem:$0x6600] =	vst v63  }
0xd2: {  	_ = 	snop  }
0xd3: {  	[tilespmem:s6], [sflag:$0x1] =	stream.indirect.gather [hbm4b:s10+s11], $0x10, s13, s11, $0xb8;
	[tilespmem:$0x6600] =	vst v63  }
0xd4: {  	_ = 	snop  }
0xd5: {  	[tilespmem:s20], [sflag:$0x1] =	stream.indirect.gather [hbm4b:s10+s11], $0x10, s19, s11, $0xb8;
	[tilespmem:$0x6600] =	vst v63  }
0xd6: {  	_ = 	snop  }
0xd7: {  	[tilespmem:s22], [sflag:$0x1] =	stream.indirect.gather [hbm4b:s10+s11], $0x10, s21, s11, $0xb8;
	[tilespmem:$0x6600] =	vst v63  }
0xd8: {  	_ = 	snop  }
0xd9: {  	[tilespmem:s24], [sflag:$0x1] =	stream.indirect.gather [hbm4b:s10+s11], $0x10, s23, s11, $0xb8;
	[tilespmem:$0x6600] =	vst v63  }
0xda: {  	_ = 	snop  }
0xdb: {  	[tilespmem:s7], [sflag:$0x1] =	stream.indirect.gather [hbm4b:s4+s11], $0x10, s12, s11, $0xb8;
	[tilespmem:$0x6600] =	vst v63  }
0xdc: {  	_ = 	snop  }
0xdd: {  	[tilespmem:s26], [sflag:$0x1] =	stream.indirect.gather [hbm4b:s4+s11], $0x10, s25, s11, $0xb8;
	[tilespmem:$0x6600] =	vst v63  }
0xde: {  	_ = 	snop  }
0xdf: {  	[tilespmem:s29], [sflag:$0x1] =	stream.indirect.gather [hbm4b:s4+s11], $0x10, s28, s11, $0xb8;
	[tilespmem:$0x6600] =	vst v63  }
0xe0: {  	_ = 	snop  }
0xe1: {  	[tilespmem:s31], [sflag:$0x1] =	stream.indirect.gather [hbm4b:s4+s11], $0x10, s30, s11, $0xb8;
	[tilespmem:$0x6600] =	vst v63  }
0xe2: {  	_ =	swait.ge [sflag:s8], $0x800  }
0xe3: {  	[sflag:s8] =	ssyncset.done $0x0  }
0xe4: {  	[sflag:s8] =	ssyncadd.s32 $0xFFFFF800  }
0xe5: {  	_ =	swait.ge [sflag:s8], $0x800  }
0xe6: {  	[sflag:s8] =	ssyncset.done $0x0  }
0xe7: {  	[sflag:s8] =	ssyncadd.s32 $0xFFFFF800  }
0xe8: {  	_ =	swait.ge [sflag:s8], $0x800  }
0xe9: {  	[sflag:s8] =	ssyncset.done $0x0  }
0xea: {  	[sflag:s8] =	ssyncadd.s32 $0xFFFFF800  }
0xeb: {  	_ =	swait.ge [sflag:s8], $0x800  }
0xec: {  	[sflag:s8] =	ssyncset.done $0x0  }
0xed: {  	[sflag:s8] =	ssyncadd.s32 $0xFFFFF800  }
0xee: {  	_ =	swait.ge [sflag:s8], $0x800  }
0xef: {  	[sflag:s8] =	ssyncset.done $0x0  }
0xf0: {  	[sflag:s8] =	ssyncadd.s32 $0xFFFFF800  }
0xf1: {  	_ =	swait.ge [sflag:s8], $0x800  }
0xf2: {  	[sflag:s8] =	ssyncset.done $0x0  }
0xf3: {  	[sflag:s8] =	ssyncadd.s32 $0xFFFFF800  }
0xf4: {  	_ =	swait.ge [sflag:s8], $0x800  }
0xf5: {  	[sflag:s8] =	ssyncset.done $0x0  }
0xf6: {  	[sflag:s8] =	ssyncadd.s32 $0xFFFFF800  }
0xf7: {  	_ =	swait.ge [sflag:s8], $0x800  }
0xf8: {  	[sflag:s8] =	ssyncset.done $0x0  }
0xf9: {  	[sflag:s8] =	ssyncadd.s32 $0xFFFFF800  }
0xfa: {  	_ =	swait.ge [sflag:s8], $0x800  }
0xfb: {  	[sflag:s8] =	ssyncset.done $0x0  }
0xfc: {  	[sflag:s8] =	ssyncadd.s32 $0xFFFFF800  }
0xfd: {  	_ =	swait.ge [sflag:s8], $0x800  }
0xfe: {  	[sflag:s8] =	ssyncset.done $0x0  }
0xff: {  	[sflag:s8] =	ssyncadd.s32 $0xFFFFF800  }
0x100: {  	_ =	swait.ge [sflag:s8], $0x800  }
0x101: {  	[sflag:s8] =	ssyncset.done $0x0  }
0x102: {  	[sflag:s8] =	ssyncadd.s32 $0xFFFFF800  }
0x103: {  	_ =	swait.ge [sflag:s8], $0x800  }
0x104: {  	[sflag:s8] =	ssyncset.done $0x0  }
0x105: {  	s28 =	rddreg [dreg:$0x9];
	[sflag:s8] =	ssyncadd.s32 $0xFFFFF800  }
0x106: {  	[hbm4b:s28+s2] =	stream.linear.scatter [tilespmem:s5], [sflag:$0x2], $0x2000, $0x38;
	[tilespmem:$0x6600] =	vst v63  }
0x107: {  	_ =	swait.ge [sflag:s3], $0x2000  }
0x108: {  	[sflag:s3] =	ssyncset.done $0x0  }
0x109: {  	s29 =	rddreg [dreg:$0xa];
	[sflag:s3] =	ssyncadd.s32 $0xFFFFE000  }
0x10a: {  	[hbm4b:s29+s2] =	stream.linear.scatter [tilespmem:s6], [sflag:$0x2], $0x2000, $0x38;
	[tilespmem:$0x6600] =	vst v63  }
0x10b: {  	_ =	swait.ge [sflag:s3], $0x2000  }
0x10c: {  	[sflag:s3] =	ssyncset.done $0x0  }
0x10d: {  	s30 =	rddreg [dreg:$0xb];
	[sflag:s3] =	ssyncadd.s32 $0xFFFFE000  }
0x10e: {  	[hbm4b:s30+s2] =	stream.linear.scatter [tilespmem:s7], [sflag:$0x2], $0x2000, $0x38;
	[tilespmem:$0x6600] =	vst v63  }
0x10f: {  	_ =	swait.ge [sflag:s3], $0x2000  }
0x110: {  	[sflag:s3] =	ssyncset.done $0x0  }
0x111: {  	[sflag:s3] =	ssyncadd.s32 $0xFFFFE000  }
0x112: {  	_ =	sfence.sel $0x180000  }
0x113: {  	[bflag:$0x0] =	sbarrier.arrive $0xFFFF  }
0x114: {  	_ =	strace $0x90000047  }
0x115: {  	s31 =	stileid.u32;
	[bflag:$0x2] =	sbarrier.arrive $0xFFFF  }
0x116: {  	p0 =	sne.s32 s31, $0x0;
	s0 =	rddreg [dreg:$0x5]  }
0x117: {  	s0 =	sadd.s32 @!p0 $0x100000, s0  }
0x118: {  	[sflag:s0] =	ssyncadd.tile.s32 @!p0 $0x1;
	_ =	shalt  }
.Lfunc_end2:
_tile_overlayer_lowered:
.L_overlay_start_2:
0x119: {  	(tag) =	ssettag $0x2  }
0x11a: {  	s0 =	rddreg [dreg:$0x0];
	s2 =	stileid.u32  }
0x11b: {  	s1 =	rddreg [dreg:$0x1];
	p0 =	sne.s32 s2, $0x0  }
0x11c: {  	s3 =	rddreg [dreg:$0x2];
	[bflag:$0x3] =	sbarrier.arrive $0xFFFF;
	s2 =	simm.s32 @!p0 $0x1C02  }
0x11d: {  	[timem:s3], [sflag:s2] =	dma.local @!p0 [hbm:s0], s1  }
0x11e: {  	s0 =	simm.s32 @!p0 $0x2  }
0x11f: {  	_ =	swait.ge @!p0 [sflag:s0], s1  }
0x120: {  	s1 =	ssub.s32 @!p0 $0x0, s1;
	[sflag:s0] =	ssyncset.done @!p0 $0x0  }
0x121: {  	[sflag:s0] =	ssyncadd.s32 @!p0 s1  }
0x122: {  	[bflag:$0x3] =	sbarrier.arrive $0xFFFF  }
0x123: {  	_ =	shalt  }

</sc_bundles>
